<compile_context>
chip_gen: v7x
topology: tpu7x:2x2x1
jax: 0.10.2.dev20260603
libtpu: 0.0.44.dev20260713+nightly
codegen_flags: <defaults>
</compile_context>

<pallas_src>
import functools

import jax
import jax.numpy as jnp
from jax import lax
from jax.experimental import pallas as pl
from jax.experimental.pallas import tpu as pltpu
from jax.experimental.pallas import tpu_sc as plsc

NUM_NODES = 50000
NUM_EDGES = 1600000
N_ROWS = 392
N_PAD = N_ROWS * 128
NW = 32
def _sched(chunk):
    n_chunks = NUM_EDGES // chunk
    full = n_chunks // NW
    extra = n_chunks - full * NW
    return n_chunks, full, extra

D_CHUNK = 12800
D_N_CHUNKS, D_FULL, D_EXTRA = _sched(D_CHUNK)
CHUNK = 6400
N_CHUNKS, FULL_ROUNDS, EXTRA = _sched(CHUNK)
ROUNDS = FULL_ROUNDS + 1
HALF = D_CHUNK // 2

_mesh = plsc.VectorSubcoreMesh(core_axis_name="c", subcore_axis_name="s")
_sc_params = pltpu.CompilerParams(needs_layout_passes=False)


def _wid():
    return lax.axis_index("s") * 2 + lax.axis_index("c")


def _chunk_of(r, wid, n_chunks=None):
    return jnp.minimum(r * NW + wid, (n_chunks or N_CHUNKS) - 1)


@functools.partial(
    pl.kernel,
    mesh=_mesh,
    out_type=jax.ShapeDtypeStruct((NW * N_PAD,), jnp.float32),
    compiler_params=_sc_params,
    scratch_types=[
        pltpu.VMEM((2, D_CHUNK), jnp.int32),
        pltpu.VMEM((2, D_CHUNK), jnp.int32),
        pltpu.VMEM((N_PAD,), jnp.float32),
        pltpu.SemaphoreType.DMA,
        pltpu.SemaphoreType.DMA,
    ],
)
def _degree_kernel(ei_hbm, deg_out_hbm, ei_a, ei_b, deg_v, sem0, sem1):
    wid = _wid()
    sems = (sem0, sem1)
    bufs = (ei_a, ei_b)

    def start_in(r):
        k = _chunk_of(r, wid, D_N_CHUNKS)
        buf = r % 2
        return pltpu.async_copy(
            ei_hbm.at[:, pl.ds(k * D_CHUNK, D_CHUNK)], bufs[buf], sems[buf]
        )

    pending = start_in(0)

    zeros = jnp.zeros((16,), jnp.float32)

    @plsc.parallel_loop(0, N_PAD, 16, unroll=4)
    def _zero(i):
        deg_v[pl.ds(i, 16)] = zeros

    ones = jnp.ones((16,), jnp.float32)

    for r in range(D_FULL + 1):
        buf = r % 2
        pending.wait()
        if r + 1 < D_FULL + 1:
            pending = start_in(r + 1)

        cbuf = bufs[buf]

        def accum_chunk(cbuf=cbuf):
            @plsc.parallel_loop(0, D_CHUNK, 16, unroll=8)
            def _accum(i):
                idx = cbuf[1, pl.ds(i, 16)]
                plsc.addupdate_scatter(deg_v, [idx], ones)

        if r < D_FULL:
            accum_chunk()
        else:
            pl.when(wid < D_EXTRA)(accum_chunk)

    pltpu.sync_copy(deg_v, deg_out_hbm.at[pl.ds(wid * N_PAD, N_PAD)])


def _reduce_rsqrt_body(p_ref, o_ref):
    s = jnp.sum(p_ref[...], axis=0)
    o_ref[...] = jnp.where(s > 0.0, jax.lax.rsqrt(s), 0.0)


@functools.partial(
    pl.kernel,
    mesh=_mesh,
    out_type=jax.ShapeDtypeStruct((NUM_EDGES,), jnp.float32),
    compiler_params=_sc_params,
    scratch_types=[
        pltpu.VMEM((N_PAD,), jnp.float32),
        pltpu.VMEM((2, D_CHUNK), jnp.int32),
        pltpu.VMEM((2, D_CHUNK), jnp.int32),
        pltpu.VMEM((HALF,), jnp.float32),
        pltpu.VMEM((HALF,), jnp.float32),
        pltpu.SemaphoreType.DMA,
        pltpu.SemaphoreType.DMA,
        pltpu.SemaphoreType.DMA,
        pltpu.SemaphoreType.DMA,
        pltpu.SemaphoreType.DMA,
    ],
)
def _norm_kernel(
    ei_hbm, tab_hbm, out_hbm, tab_v, ei_a, ei_b, out_a, out_b,
    sem_tab, si0, si1, so0, so1
):
    wid = _wid()
    sems_in = (si0, si1)
    sems_out = (so0, so1)
    in_bufs = (ei_a, ei_b)
    out_bufs = (out_a, out_b)

    def start_in(r):
        k = _chunk_of(r, wid, D_N_CHUNKS)
        buf = r % 2
        return pltpu.async_copy(
            ei_hbm.at[:, pl.ds(k * D_CHUNK, D_CHUNK)], in_bufs[buf], sems_in[buf]
        )

    pending = start_in(0)
    tab_cp = pltpu.async_copy(tab_hbm, tab_v, sem_tab)
    tab_cp.wait()

    out_pending = [None, None]

    def do_half(cbuf, k, h, sync):
        obuf = out_bufs[h]
        if out_pending[h] is not None:
            out_pending[h].wait()
            out_pending[h] = None

        @plsc.parallel_loop(0, HALF, 16, unroll=8)
        def _gather(i):
            ri = cbuf[0, pl.ds(h * HALF + i, 16)]
            ci = cbuf[1, pl.ds(h * HALF + i, 16)]
            r_ = plsc.load_gather(tab_v, [ri])
            c_ = plsc.load_gather(tab_v, [ci])
            obuf[pl.ds(i, 16)] = r_ * c_

        dst = out_hbm.at[pl.ds(k * D_CHUNK + h * HALF, HALF)]
        if sync:
            pltpu.sync_copy(obuf, dst)
        else:
            out_pending[h] = pltpu.async_copy(obuf, dst, sems_out[h])

    for r in range(D_FULL):
        buf = r % 2
        pending.wait()
        pending = start_in(r + 1)
        cbuf = in_bufs[buf]
        k = _chunk_of(r, wid, D_N_CHUNKS)
        do_half(cbuf, k, 0, False)
        do_half(cbuf, k, 1, False)

    pending.wait()
    for h in (0, 1):
        if out_pending[h] is not None:
            out_pending[h].wait()
            out_pending[h] = None

    @pl.when(wid < D_EXTRA)
    def _tail():
        cbuf = in_bufs[D_FULL % 2]
        k = _chunk_of(D_FULL, wid, D_N_CHUNKS)
        do_half(cbuf, k, 0, True)
        do_half(cbuf, k, 1, True)


def kernel(edge_index):
    ei = edge_index.astype(jnp.int32)
    partials = _degree_kernel(ei)
    deg_inv = pl.pallas_call(
        _reduce_rsqrt_body,
        out_shape=jax.ShapeDtypeStruct((N_ROWS, 128), jnp.float32),
    )(partials.reshape(NW, N_ROWS, 128))
    return _norm_kernel(ei, deg_inv.reshape(N_PAD))

# --- scband reference (transcript-rebuilt; emitter-appended) ---
"""Pipeline reference for scband-gcnstage1-compute-norm-41807211659493 (READ-ONLY COPY).

The authoritative reference and input builder live on the scoring server;
editing this copy changes nothing except your own understanding.
"""

import jax, jax.numpy as jnp
import numpy as np

NUM_NODES = 50000
NUM_EDGES = 1600000


def setup_inputs(seed: int = 0) -> dict:
    key = jax.random.key(seed)
    edge_index = jax.random.randint(key, (2, NUM_EDGES), 0, NUM_NODES)
    return {"edge_index": edge_index}


def reference(edge_index):
    # Stage 1 of GCN: symmetric normalization weights norm_ij = 1/sqrt(deg_i*deg_j)
    row = edge_index[0]
    col = edge_index[1]
    ones = jnp.ones((edge_index.shape[1],), dtype=jnp.float32)
    # deg.scatter_add_(0, col, ones)
    deg = jnp.zeros((NUM_NODES,), dtype=jnp.float32).at[col].add(ones)
    # deg.pow(-0.5) with inf -> 0 (isolated nodes)
    deg_safe = jnp.where(deg > 0, deg, 1.0)
    deg_inv_sqrt = jnp.where(deg > 0, jax.lax.rsqrt(deg_safe), 0.0)
    norm = deg_inv_sqrt[row] * deg_inv_sqrt[col]
    return norm

if __name__ == "__main__":
    import jax
    _d = setup_inputs()
    print(jax.jit(kernel)(*tuple(_d.values())))

</pallas_src>

<mosaic_0001>
#map = affine_map<(d0, d1) -> (0, 0)>
#map1 = affine_map<(d0, d1) -> (0)>
module attributes {stable_mosaic.version = 14 : i64} {
  func.func @_degree_kernel(%arg0: i32, %arg1: i32, %arg2: memref<2x1600000xi32, #tpu.memory_space<hbm>>, %arg3: memref<1605632xf32, #tpu.memory_space<hbm>>, %arg4: memref<2x12800xi32, #tpu.memory_space<vmem>>, %arg5: memref<2x12800xi32, #tpu.memory_space<vmem>>, %arg6: memref<50176xf32, #tpu.memory_space<vmem>>, %arg7: memref<!tpu.dma_semaphore, #tpu.memory_space<semaphore_mem>>, %arg8: memref<!tpu.dma_semaphore, #tpu.memory_space<semaphore_mem>>) attributes {dimension_semantics = [#tpu.dimension_semantics<core_parallel>, #tpu.dimension_semantics<subcore_parallel>], iteration_bounds = array<i64: 2, 16>, scalar_prefetch = 0 : i64, scratch_operands = 5 : i64, tpu.core_type = #tpu.core_type<sc_vector_subcore>, window_params = [{transform_indices = #map}, {transform_indices = #map1}]} {
    %mul3A = arith.constant 2 : i32
    %mul3A_0 = arith.muli %arg1, %mul3A : i32
    %add3A = arith.addi %mul3A_0, %arg0 : i32
    %add3A_1 = arith.constant 0 : i32
    %add3A_2 = arith.addi %add3A_1, %add3A : i32
    %min3A = arith.constant 124 : i32
    %min3A_3 = arith.minsi %add3A_2, %min3A : i32
    %mul3A_4 = arith.constant 12800 : i32
    %mul3A_5 = arith.muli %min3A_3, %mul3A_4 : i32
    %dma_start3A = arith.constant 0 : i32
    %dma_start3A_6 = tpu.memref_slice %arg2[%dma_start3A, %mul3A_5] : memref<2x1600000xi32, #tpu.memory_space<hbm>> -> memref<2x12800xi32, #tpu.memory_space<hbm>>
    %dma_start3A_7 = arith.constant 0 : i32
    %dma_start3A_8 = tpu.memref_slice %arg2[%dma_start3A_7, %mul3A_5] : memref<2x1600000xi32, #tpu.memory_space<hbm>> -> memref<2x12800xi32, #tpu.memory_space<hbm>>
    tpu.enqueue_dma source(%dma_start3A_8 : memref<2x12800xi32, #tpu.memory_space<hbm>>) target(%arg4 : memref<2x12800xi32, #tpu.memory_space<vmem>>) target_semaphore(%arg7 : memref<!tpu.dma_semaphore, #tpu.memory_space<semaphore_mem>>)
    %broadcast_in_dim3A = arith.constant 0.000000e+00 : f32
    %broadcast_in_dim3A_9 = vector.broadcast %broadcast_in_dim3A : f32 to vector<16xf32>
    %parallel_loop3A = arith.constant 0 : i32
    %parallel_loop3A_10 = arith.constant 50176 : i32
    %parallel_loop3A_11 = arith.constant 16 : i32
    scf.for %parallel_loop3A_72 = %parallel_loop3A to %parallel_loop3A_10 step %parallel_loop3A_11  : i32 {
      %parallel_loop3A_73 = arith.index_cast %parallel_loop3A_72 : i32 to index
      %parallel_loop3A_74 = tpu.vector_load %arg6[%parallel_loop3A_73] {strides = array<i32>} : memref<50176xf32, #tpu.memory_space<vmem>>, vector<16xf32>,
      tpu.vector_store %arg6[%parallel_loop3A_73], %broadcast_in_dim3A_9 {strides = array<i32>} : memref<50176xf32, #tpu.memory_space<vmem>>, vector<16xf32>,
    } {sc.loop_unroll_factor = 4 : i64, sc.parallel_access}
    %broadcast_in_dim3A_12 = arith.constant 1.000000e+00 : f32
    %broadcast_in_dim3A_13 = vector.broadcast %broadcast_in_dim3A_12 : f32 to vector<16xf32>
    %dma_wait3A = arith.constant 0 : i32
    %dma_wait3A_14 = tpu.memref_slice %arg2[%dma_wait3A, %mul3A_5] : memref<2x1600000xi32, #tpu.memory_space<hbm>> -> memref<2x12800xi32, #tpu.memory_space<hbm>>
    %dma_wait3A_15 = arith.constant 0 : i32
    %dma_wait3A_16 = tpu.memref_slice %arg2[%dma_wait3A_15, %mul3A_5] : memref<2x1600000xi32, #tpu.memory_space<hbm>> -> memref<2x12800xi32, #tpu.memory_space<hbm>>
    tpu.wait_dma2 semaphore(%arg7 : memref<!tpu.dma_semaphore, #tpu.memory_space<semaphore_mem>>) src(%dma_wait3A_16 : memref<2x12800xi32, #tpu.memory_space<hbm>>) dst(%arg4 : memref<2x12800xi32, #tpu.memory_space<vmem>>)
    %add3A_17 = arith.constant 32 : i32
    %add3A_18 = arith.addi %add3A_17, %add3A : i32
    %min3A_19 = arith.constant 124 : i32
    %min3A_20 = arith.minsi %add3A_18, %min3A_19 : i32
    %mul3A_21 = arith.constant 12800 : i32
    %mul3A_22 = arith.muli %min3A_20, %mul3A_21 : i32
    %dma_start3A_23 = arith.constant 0 : i32
    %dma_start3A_24 = tpu.memref_slice %arg2[%dma_start3A_23, %mul3A_22] : memref<2x1600000xi32, #tpu.memory_space<hbm>> -> memref<2x12800xi32, #tpu.memory_space<hbm>>
    %dma_start3A_25 = arith.constant 0 : i32
    %dma_start3A_26 = tpu.memref_slice %arg2[%dma_start3A_25, %mul3A_22] : memref<2x1600000xi32, #tpu.memory_space<hbm>> -> memref<2x12800xi32, #tpu.memory_space<hbm>>
    tpu.enqueue_dma source(%dma_start3A_26 : memref<2x12800xi32, #tpu.memory_space<hbm>>) target(%arg5 : memref<2x12800xi32, #tpu.memory_space<vmem>>) target_semaphore(%arg8 : memref<!tpu.dma_semaphore, #tpu.memory_space<semaphore_mem>>)
    %parallel_loop3A_27 = arith.constant 0 : i32
    %parallel_loop3A_28 = arith.constant 12800 : i32
    %parallel_loop3A_29 = arith.constant 16 : i32
    scf.for %parallel_loop3A_72 = %parallel_loop3A_27 to %parallel_loop3A_28 step %parallel_loop3A_29  : i32 {
      %parallel_loop3A_73 = arith.constant 1 : i32
      %parallel_loop3A_74 = arith.index_cast %parallel_loop3A_73 : i32 to index
      %parallel_loop3A_75 = arith.index_cast %parallel_loop3A_72 : i32 to index
      %parallel_loop3A_76 = tpu.vector_load %arg4[%parallel_loop3A_74, %parallel_loop3A_75] {strides = array<i32>} : memref<2x12800xi32, #tpu.memory_space<vmem>>, vector<16xi32>,
      tpu.vector_store_idx %arg6[%parallel_loop3A_76], %broadcast_in_dim3A_13 {add = true} : memref<50176xf32, #tpu.memory_space<vmem>>[vector<16xi32>], vector<16xf32>,
    } {sc.loop_unroll_factor = 8 : i64, sc.parallel_access}
    %dma_wait3A_30 = arith.constant 0 : i32
    %dma_wait3A_31 = tpu.memref_slice %arg2[%dma_wait3A_30, %mul3A_22] : memref<2x1600000xi32, #tpu.memory_space<hbm>> -> memref<2x12800xi32, #tpu.memory_space<hbm>>
    %dma_wait3A_32 = arith.constant 0 : i32
    %dma_wait3A_33 = tpu.memref_slice %arg2[%dma_wait3A_32, %mul3A_22] : memref<2x1600000xi32, #tpu.memory_space<hbm>> -> memref<2x12800xi32, #tpu.memory_space<hbm>>
    tpu.wait_dma2 semaphore(%arg8 : memref<!tpu.dma_semaphore, #tpu.memory_space<semaphore_mem>>) src(%dma_wait3A_33 : memref<2x12800xi32, #tpu.memory_space<hbm>>) dst(%arg5 : memref<2x12800xi32, #tpu.memory_space<vmem>>)
    %add3A_34 = arith.constant 64 : i32
    %add3A_35 = arith.addi %add3A_34, %add3A : i32
    %min3A_36 = arith.constant 124 : i32
    %min3A_37 = arith.minsi %add3A_35, %min3A_36 : i32
    %mul3A_38 = arith.constant 12800 : i32
    %mul3A_39 = arith.muli %min3A_37, %mul3A_38 : i32
    %dma_start3A_40 = arith.constant 0 : i32
    %dma_start3A_41 = tpu.memref_slice %arg2[%dma_start3A_40, %mul3A_39] : memref<2x1600000xi32, #tpu.memory_space<hbm>> -> memref<2x12800xi32, #tpu.memory_space<hbm>>
    %dma_start3A_42 = arith.constant 0 : i32
    %dma_start3A_43 = tpu.memref_slice %arg2[%dma_start3A_42, %mul3A_39] : memref<2x1600000xi32, #tpu.memory_space<hbm>> -> memref<2x12800xi32, #tpu.memory_space<hbm>>
    tpu.enqueue_dma source(%dma_start3A_43 : memref<2x12800xi32, #tpu.memory_space<hbm>>) target(%arg4 : memref<2x12800xi32, #tpu.memory_space<vmem>>) target_semaphore(%arg7 : memref<!tpu.dma_semaphore, #tpu.memory_space<semaphore_mem>>)
    %parallel_loop3A_44 = arith.constant 0 : i32
    %parallel_loop3A_45 = arith.constant 12800 : i32
    %parallel_loop3A_46 = arith.constant 16 : i32
    scf.for %parallel_loop3A_72 = %parallel_loop3A_44 to %parallel_loop3A_45 step %parallel_loop3A_46  : i32 {
      %parallel_loop3A_73 = arith.constant 1 : i32
      %parallel_loop3A_74 = arith.index_cast %parallel_loop3A_73 : i32 to index
      %parallel_loop3A_75 = arith.index_cast %parallel_loop3A_72 : i32 to index
      %parallel_loop3A_76 = tpu.vector_load %arg5[%parallel_loop3A_74, %parallel_loop3A_75] {strides = array<i32>} : memref<2x12800xi32, #tpu.memory_space<vmem>>, vector<16xi32>,
      tpu.vector_store_idx %arg6[%parallel_loop3A_76], %broadcast_in_dim3A_13 {add = true} : memref<50176xf32, #tpu.memory_space<vmem>>[vector<16xi32>], vector<16xf32>,
    } {sc.loop_unroll_factor = 8 : i64, sc.parallel_access}
    %dma_wait3A_47 = arith.constant 0 : i32
    %dma_wait3A_48 = tpu.memref_slice %arg2[%dma_wait3A_47, %mul3A_39] : memref<2x1600000xi32, #tpu.memory_space<hbm>> -> memref<2x12800xi32, #tpu.memory_space<hbm>>
    %dma_wait3A_49 = arith.constant 0 : i32
    %dma_wait3A_50 = tpu.memref_slice %arg2[%dma_wait3A_49, %mul3A_39] : memref<2x1600000xi32, #tpu.memory_space<hbm>> -> memref<2x12800xi32, #tpu.memory_space<hbm>>
    tpu.wait_dma2 semaphore(%arg7 : memref<!tpu.dma_semaphore, #tpu.memory_space<semaphore_mem>>) src(%dma_wait3A_50 : memref<2x12800xi32, #tpu.memory_space<hbm>>) dst(%arg4 : memref<2x12800xi32, #tpu.memory_space<vmem>>)
    %add3A_51 = arith.constant 96 : i32
    %add3A_52 = arith.addi %add3A_51, %add3A : i32
    %min3A_53 = arith.constant 124 : i32
    %min3A_54 = arith.minsi %add3A_52, %min3A_53 : i32
    %mul3A_55 = arith.constant 12800 : i32
    %mul3A_56 = arith.muli %min3A_54, %mul3A_55 : i32
    %dma_start3A_57 = arith.constant 0 : i32
    %dma_start3A_58 = tpu.memref_slice %arg2[%dma_start3A_57, %mul3A_56] : memref<2x1600000xi32, #tpu.memory_space<hbm>> -> memref<2x12800xi32, #tpu.memory_space<hbm>>
    %dma_start3A_59 = arith.constant 0 : i32
    %dma_start3A_60 = tpu.memref_slice %arg2[%dma_start3A_59, %mul3A_56] : memref<2x1600000xi32, #tpu.memory_space<hbm>> -> memref<2x12800xi32, #tpu.memory_space<hbm>>
    tpu.enqueue_dma source(%dma_start3A_60 : memref<2x12800xi32, #tpu.memory_space<hbm>>) target(%arg5 : memref<2x12800xi32, #tpu.memory_space<vmem>>) target_semaphore(%arg8 : memref<!tpu.dma_semaphore, #tpu.memory_space<semaphore_mem>>)
    %parallel_loop3A_61 = arith.constant 0 : i32
    %parallel_loop3A_62 = arith.constant 12800 : i32
    %parallel_loop3A_63 = arith.constant 16 : i32
    scf.for %parallel_loop3A_72 = %parallel_loop3A_61 to %parallel_loop3A_62 step %parallel_loop3A_63  : i32 {
      %parallel_loop3A_73 = arith.constant 1 : i32
      %parallel_loop3A_74 = arith.index_cast %parallel_loop3A_73 : i32 to index
      %parallel_loop3A_75 = arith.index_cast %parallel_loop3A_72 : i32 to index
      %parallel_loop3A_76 = tpu.vector_load %arg4[%parallel_loop3A_74, %parallel_loop3A_75] {strides = array<i32>} : memref<2x12800xi32, #tpu.memory_space<vmem>>, vector<16xi32>,
      tpu.vector_store_idx %arg6[%parallel_loop3A_76], %broadcast_in_dim3A_13 {add = true} : memref<50176xf32, #tpu.memory_space<vmem>>[vector<16xi32>], vector<16xf32>,
    } {sc.loop_unroll_factor = 8 : i64, sc.parallel_access}
    %dma_wait3A_64 = arith.constant 0 : i32
    %dma_wait3A_65 = tpu.memref_slice %arg2[%dma_wait3A_64, %mul3A_56] : memref<2x1600000xi32, #tpu.memory_space<hbm>> -> memref<2x12800xi32, #tpu.memory_space<hbm>>
    %dma_wait3A_66 = arith.constant 0 : i32
    %dma_wait3A_67 = tpu.memref_slice %arg2[%dma_wait3A_66, %mul3A_56] : memref<2x1600000xi32, #tpu.memory_space<hbm>> -> memref<2x12800xi32, #tpu.memory_space<hbm>>
    tpu.wait_dma2 semaphore(%arg8 : memref<!tpu.dma_semaphore, #tpu.memory_space<semaphore_mem>>) src(%dma_wait3A_67 : memref<2x12800xi32, #tpu.memory_space<hbm>>) dst(%arg5 : memref<2x12800xi32, #tpu.memory_space<vmem>>)
    %lt3A = arith.constant 29 : i32
    %lt3A_68 = arith.cmpi slt, %add3A, %lt3A : i32
    %convert_element_type3A = arith.extui %lt3A_68 : i1 to i32
    %cond3A = arith.constant 0 : i32
    %cond3A_69 = arith.cmpi ne, %convert_element_type3A, %cond3A : i32
    scf.if %cond3A_69 {
      %parallel_loop3A_72 = arith.constant 0 : i32
      %parallel_loop3A_73 = arith.constant 12800 : i32
      %parallel_loop3A_74 = arith.constant 16 : i32
      scf.for %parallel_loop3A_75 = %parallel_loop3A_72 to %parallel_loop3A_73 step %parallel_loop3A_74  : i32 {
        %parallel_loop3A_76 = arith.constant 1 : i32
        %parallel_loop3A_77 = arith.index_cast %parallel_loop3A_76 : i32 to index
        %parallel_loop3A_78 = arith.index_cast %parallel_loop3A_75 : i32 to index
        %parallel_loop3A_79 = tpu.vector_load %arg5[%parallel_loop3A_77, %parallel_loop3A_78] {strides = array<i32>} : memref<2x12800xi32, #tpu.memory_space<vmem>>, vector<16xi32>,
        tpu.vector_store_idx %arg6[%parallel_loop3A_79], %broadcast_in_dim3A_13 {add = true} : memref<50176xf32, #tpu.memory_space<vmem>>[vector<16xi32>], vector<16xf32>,
      } {sc.loop_unroll_factor = 8 : i64, sc.parallel_access}
    } else {
    }
    %mul3A_70 = arith.constant 50176 : i32
    %mul3A_71 = arith.muli %add3A, %mul3A_70 : i32
    "tpu.region"() ({
      %run_scoped3A = tpu.sem_alloc : memref<!tpu.dma_semaphore, #tpu.memory_space<semaphore_mem>>
      %dma_start3A_72 = tpu.memref_slice %arg3[%mul3A_71] : memref<1605632xf32, #tpu.memory_space<hbm>> -> memref<50176xf32, #tpu.memory_space<hbm>>
      %dma_start3A_73 = tpu.memref_slice %arg3[%mul3A_71] : memref<1605632xf32, #tpu.memory_space<hbm>> -> memref<50176xf32, #tpu.memory_space<hbm>>
      tpu.enqueue_dma source(%arg6 : memref<50176xf32, #tpu.memory_space<vmem>>) target(%dma_start3A_73 : memref<50176xf32, #tpu.memory_space<hbm>>) target_semaphore(%run_scoped3A : memref<!tpu.dma_semaphore, #tpu.memory_space<semaphore_mem>>)
      %dma_wait3A_74 = tpu.memref_slice %arg3[%mul3A_71] : memref<1605632xf32, #tpu.memory_space<hbm>> -> memref<50176xf32, #tpu.memory_space<hbm>>
      %dma_wait3A_75 = tpu.memref_slice %arg3[%mul3A_71] : memref<1605632xf32, #tpu.memory_space<hbm>> -> memref<50176xf32, #tpu.memory_space<hbm>>
      tpu.wait_dma2 semaphore(%run_scoped3A : memref<!tpu.dma_semaphore, #tpu.memory_space<semaphore_mem>>) src(%arg6 : memref<50176xf32, #tpu.memory_space<vmem>>) dst(%dma_wait3A_75 : memref<50176xf32, #tpu.memory_space<hbm>>)
      tpu.yield
    }) : () -> ()
    return
  }
}

#map = affine_map<(d0, d1) -> (0, 0)>
#map1 = affine_map<(d0, d1) -> (0)>
module attributes {stable_mosaic.version = 14 : i64} {
  func.func @_norm_kernel(%arg0: i32, %arg1: i32, %arg2: memref<2x1600000xi32, #tpu.memory_space<hbm>>, %arg3: memref<50176xf32, #tpu.memory_space<hbm>>, %arg4: memref<1600000xf32, #tpu.memory_space<hbm>>, %arg5: memref<50176xf32, #tpu.memory_space<vmem>>, %arg6: memref<2x12800xi32, #tpu.memory_space<vmem>>, %arg7: memref<2x12800xi32, #tpu.memory_space<vmem>>, %arg8: memref<6400xf32, #tpu.memory_space<vmem>>, %arg9: memref<6400xf32, #tpu.memory_space<vmem>>, %arg10: memref<!tpu.dma_semaphore, #tpu.memory_space<semaphore_mem>>, %arg11: memref<!tpu.dma_semaphore, #tpu.memory_space<semaphore_mem>>, %arg12: memref<!tpu.dma_semaphore, #tpu.memory_space<semaphore_mem>>, %arg13: memref<!tpu.dma_semaphore, #tpu.memory_space<semaphore_mem>>, %arg14: memref<!tpu.dma_semaphore, #tpu.memory_space<semaphore_mem>>) attributes {dimension_semantics = [#tpu.dimension_semantics<core_parallel>, #tpu.dimension_semantics<subcore_parallel>], iteration_bounds = array<i64: 2, 16>, scalar_prefetch = 0 : i64, scratch_operands = 10 : i64, tpu.core_type = #tpu.core_type<sc_vector_subcore>, window_params = [{transform_indices = #map}, {transform_indices = #map1}, {transform_indices = #map1}]} {
    %mul3A = arith.constant 2 : i32
    %mul3A_0 = arith.muli %arg1, %mul3A : i32
    %add3A = arith.addi %mul3A_0, %arg0 : i32
    %add3A_1 = arith.constant 0 : i32
    %add3A_2 = arith.addi %add3A_1, %add3A : i32
    %min3A = arith.constant 124 : i32
    %min3A_3 = arith.minsi %add3A_2, %min3A : i32
    %mul3A_4 = arith.constant 12800 : i32
    %mul3A_5 = arith.muli %min3A_3, %mul3A_4 : i32
    %dma_start3A = arith.constant 0 : i32
    %dma_start3A_6 = tpu.memref_slice %arg2[%dma_start3A, %mul3A_5] : memref<2x1600000xi32, #tpu.memory_space<hbm>> -> memref<2x12800xi32, #tpu.memory_space<hbm>>
    %dma_start3A_7 = arith.constant 0 : i32
    %dma_start3A_8 = tpu.memref_slice %arg2[%dma_start3A_7, %mul3A_5] : memref<2x1600000xi32, #tpu.memory_space<hbm>> -> memref<2x12800xi32, #tpu.memory_space<hbm>>
    tpu.enqueue_dma source(%dma_start3A_8 : memref<2x12800xi32, #tpu.memory_space<hbm>>) target(%arg6 : memref<2x12800xi32, #tpu.memory_space<vmem>>) target_semaphore(%arg11 : memref<!tpu.dma_semaphore, #tpu.memory_space<semaphore_mem>>)
    tpu.enqueue_dma source(%arg3 : memref<50176xf32, #tpu.memory_space<hbm>>) target(%arg5 : memref<50176xf32, #tpu.memory_space<vmem>>) target_semaphore(%arg10 : memref<!tpu.dma_semaphore, #tpu.memory_space<semaphore_mem>>)
    tpu.wait_dma2 semaphore(%arg10 : memref<!tpu.dma_semaphore, #tpu.memory_space<semaphore_mem>>) src(%arg3 : memref<50176xf32, #tpu.memory_space<hbm>>) dst(%arg5 : memref<50176xf32, #tpu.memory_space<vmem>>)
    %dma_wait3A = arith.constant 0 : i32
    %dma_wait3A_9 = tpu.memref_slice %arg2[%dma_wait3A, %mul3A_5] : memref<2x1600000xi32, #tpu.memory_space<hbm>> -> memref<2x12800xi32, #tpu.memory_space<hbm>>
    %dma_wait3A_10 = arith.constant 0 : i32
    %dma_wait3A_11 = tpu.memref_slice %arg2[%dma_wait3A_10, %mul3A_5] : memref<2x1600000xi32, #tpu.memory_space<hbm>> -> memref<2x12800xi32, #tpu.memory_space<hbm>>
    tpu.wait_dma2 semaphore(%arg11 : memref<!tpu.dma_semaphore, #tpu.memory_space<semaphore_mem>>) src(%dma_wait3A_11 : memref<2x12800xi32, #tpu.memory_space<hbm>>) dst(%arg6 : memref<2x12800xi32, #tpu.memory_space<vmem>>)
    %add3A_12 = arith.constant 32 : i32
    %add3A_13 = arith.addi %add3A_12, %add3A : i32
    %min3A_14 = arith.constant 124 : i32
    %min3A_15 = arith.minsi %add3A_13, %min3A_14 : i32
    %mul3A_16 = arith.constant 12800 : i32
    %mul3A_17 = arith.muli %min3A_15, %mul3A_16 : i32
    %dma_start3A_18 = arith.constant 0 : i32
    %dma_start3A_19 = tpu.memref_slice %arg2[%dma_start3A_18, %mul3A_17] : memref<2x1600000xi32, #tpu.memory_space<hbm>> -> memref<2x12800xi32, #tpu.memory_space<hbm>>
    %dma_start3A_20 = arith.constant 0 : i32
    %dma_start3A_21 = tpu.memref_slice %arg2[%dma_start3A_20, %mul3A_17] : memref<2x1600000xi32, #tpu.memory_space<hbm>> -> memref<2x12800xi32, #tpu.memory_space<hbm>>
    tpu.enqueue_dma source(%dma_start3A_21 : memref<2x12800xi32, #tpu.memory_space<hbm>>) target(%arg7 : memref<2x12800xi32, #tpu.memory_space<vmem>>) target_semaphore(%arg12 : memref<!tpu.dma_semaphore, #tpu.memory_space<semaphore_mem>>)
    %add3A_22 = arith.constant 0 : i32
    %add3A_23 = arith.addi %add3A_22, %add3A : i32
    %min3A_24 = arith.constant 124 : i32
    %min3A_25 = arith.minsi %add3A_23, %min3A_24 : i32
    %parallel_loop3A = arith.constant 0 : i32
    %parallel_loop3A_26 = arith.constant 6400 : i32
    %parallel_loop3A_27 = arith.constant 16 : i32
    scf.for %parallel_loop3A_133 = %parallel_loop3A to %parallel_loop3A_26 step %parallel_loop3A_27  : i32 {
      %parallel_loop3A_134 = arith.constant 0 : i32
      %parallel_loop3A_135 = arith.addi %parallel_loop3A_134, %parallel_loop3A_133 : i32
      %parallel_loop3A_136 = arith.constant 0 : i32
      %parallel_loop3A_137 = arith.index_cast %parallel_loop3A_136 : i32 to index
      %parallel_loop3A_138 = arith.index_cast %parallel_loop3A_135 : i32 to index
      %parallel_loop3A_139 = tpu.vector_load %arg6[%parallel_loop3A_137, %parallel_loop3A_138] {strides = array<i32>} : memref<2x12800xi32, #tpu.memory_space<vmem>>, vector<16xi32>,
      %parallel_loop3A_140 = arith.constant 0 : i32
      %parallel_loop3A_141 = arith.addi %parallel_loop3A_140, %parallel_loop3A_133 : i32
      %parallel_loop3A_142 = arith.constant 1 : i32
      %parallel_loop3A_143 = arith.index_cast %parallel_loop3A_142 : i32 to index
      %parallel_loop3A_144 = arith.index_cast %parallel_loop3A_141 : i32 to index
      %parallel_loop3A_145 = tpu.vector_load %arg6[%parallel_loop3A_143, %parallel_loop3A_144] {strides = array<i32>} : memref<2x12800xi32, #tpu.memory_space<vmem>>, vector<16xi32>,
      %parallel_loop3A_146 = tpu.vector_load_idx %arg5[%parallel_loop3A_139] : memref<50176xf32, #tpu.memory_space<vmem>>[vector<16xi32>], vector<16xf32>,
      %parallel_loop3A_147 = tpu.vector_load_idx %arg5[%parallel_loop3A_145] : memref<50176xf32, #tpu.memory_space<vmem>>[vector<16xi32>], vector<16xf32>,
      %parallel_loop3A_148 = arith.mulf %parallel_loop3A_146, %parallel_loop3A_147 : vector<16xf32>
      %parallel_loop3A_149 = arith.index_cast %parallel_loop3A_133 : i32 to index
      %parallel_loop3A_150 = tpu.vector_load %arg8[%parallel_loop3A_149] {strides = array<i32>} : memref<6400xf32, #tpu.memory_space<vmem>>, vector<16xf32>,
      tpu.vector_store %arg8[%parallel_loop3A_149], %parallel_loop3A_148 {strides = array<i32>} : memref<6400xf32, #tpu.memory_space<vmem>>, vector<16xf32>,
    } {sc.loop_unroll_factor = 8 : i64, sc.parallel_access}
    %mul3A_28 = arith.constant 12800 : i32
    %mul3A_29 = arith.muli %min3A_25, %mul3A_28 : i32
    %add3A_30 = arith.constant 0 : i32
    %add3A_31 = arith.addi %mul3A_29, %add3A_30 : i32
    %dma_start3A_32 = tpu.memref_slice %arg4[%add3A_31] : memref<1600000xf32, #tpu.memory_space<hbm>> -> memref<6400xf32, #tpu.memory_space<hbm>>
    %dma_start3A_33 = tpu.memref_slice %arg4[%add3A_31] : memref<1600000xf32, #tpu.memory_space<hbm>> -> memref<6400xf32, #tpu.memory_space<hbm>>
    tpu.enqueue_dma source(%arg8 : memref<6400xf32, #tpu.memory_space<vmem>>) target(%dma_start3A_33 : memref<6400xf32, #tpu.memory_space<hbm>>) target_semaphore(%arg13 : memref<!tpu.dma_semaphore, #tpu.memory_space<semaphore_mem>>)
    %parallel_loop3A_34 = arith.constant 0 : i32
    %parallel_loop3A_35 = arith.constant 6400 : i32
    %parallel_loop3A_36 = arith.constant 16 : i32
    scf.for %parallel_loop3A_133 = %parallel_loop3A_34 to %parallel_loop3A_35 step %parallel_loop3A_36  : i32 {
      %parallel_loop3A_134 = arith.constant 6400 : i32
      %parallel_loop3A_135 = arith.addi %parallel_loop3A_134, %parallel_loop3A_133 : i32
      %parallel_loop3A_136 = arith.constant 0 : i32
      %parallel_loop3A_137 = arith.index_cast %parallel_loop3A_136 : i32 to index
      %parallel_loop3A_138 = arith.index_cast %parallel_loop3A_135 : i32 to index
      %parallel_loop3A_139 = tpu.vector_load %arg6[%parallel_loop3A_137, %parallel_loop3A_138] {strides = array<i32>} : memref<2x12800xi32, #tpu.memory_space<vmem>>, vector<16xi32>,
      %parallel_loop3A_140 = arith.constant 6400 : i32
      %parallel_loop3A_141 = arith.addi %parallel_loop3A_140, %parallel_loop3A_133 : i32
      %parallel_loop3A_142 = arith.constant 1 : i32
      %parallel_loop3A_143 = arith.index_cast %parallel_loop3A_142 : i32 to index
      %parallel_loop3A_144 = arith.index_cast %parallel_loop3A_141 : i32 to index
      %parallel_loop3A_145 = tpu.vector_load %arg6[%parallel_loop3A_143, %parallel_loop3A_144] {strides = array<i32>} : memref<2x12800xi32, #tpu.memory_space<vmem>>, vector<16xi32>,
      %parallel_loop3A_146 = tpu.vector_load_idx %arg5[%parallel_loop3A_139] : memref<50176xf32, #tpu.memory_space<vmem>>[vector<16xi32>], vector<16xf32>,
      %parallel_loop3A_147 = tpu.vector_load_idx %arg5[%parallel_loop3A_145] : memref<50176xf32, #tpu.memory_space<vmem>>[vector<16xi32>], vector<16xf32>,
      %parallel_loop3A_148 = arith.mulf %parallel_loop3A_146, %parallel_loop3A_147 : vector<16xf32>
      %parallel_loop3A_149 = arith.index_cast %parallel_loop3A_133 : i32 to index
      %parallel_loop3A_150 = tpu.vector_load %arg9[%parallel_loop3A_149] {strides = array<i32>} : memref<6400xf32, #tpu.memory_space<vmem>>, vector<16xf32>,
      tpu.vector_store %arg9[%parallel_loop3A_149], %parallel_loop3A_148 {strides = array<i32>} : memref<6400xf32, #tpu.memory_space<vmem>>, vector<16xf32>,
    } {sc.loop_unroll_factor = 8 : i64, sc.parallel_access}
    %mul3A_37 = arith.constant 12800 : i32
    %mul3A_38 = arith.muli %min3A_25, %mul3A_37 : i32
    %add3A_39 = arith.constant 6400 : i32
    %add3A_40 = arith.addi %mul3A_38, %add3A_39 : i32
    %dma_start3A_41 = tpu.memref_slice %arg4[%add3A_40] : memref<1600000xf32, #tpu.memory_space<hbm>> -> memref<6400xf32, #tpu.memory_space<hbm>>
    %dma_start3A_42 = tpu.memref_slice %arg4[%add3A_40] : memref<1600000xf32, #tpu.memory_space<hbm>> -> memref<6400xf32, #tpu.memory_space<hbm>>
    tpu.enqueue_dma source(%arg9 : memref<6400xf32, #tpu.memory_space<vmem>>) target(%dma_start3A_42 : memref<6400xf32, #tpu.memory_space<hbm>>) target_semaphore(%arg14 : memref<!tpu.dma_semaphore, #tpu.memory_space<semaphore_mem>>)
    %dma_wait3A_43 = arith.constant 0 : i32
    %dma_wait3A_44 = tpu.memref_slice %arg2[%dma_wait3A_43, %mul3A_17] : memref<2x1600000xi32, #tpu.memory_space<hbm>> -> memref<2x12800xi32, #tpu.memory_space<hbm>>
    %dma_wait3A_45 = arith.constant 0 : i32
    %dma_wait3A_46 = tpu.memref_slice %arg2[%dma_wait3A_45, %mul3A_17] : memref<2x1600000xi32, #tpu.memory_space<hbm>> -> memref<2x12800xi32, #tpu.memory_space<hbm>>
    tpu.wait_dma2 semaphore(%arg12 : memref<!tpu.dma_semaphore, #tpu.memory_space<semaphore_mem>>) src(%dma_wait3A_46 : memref<2x12800xi32, #tpu.memory_space<hbm>>) dst(%arg7 : memref<2x12800xi32, #tpu.memory_space<vmem>>)
    %add3A_47 = arith.constant 64 : i32
    %add3A_48 = arith.addi %add3A_47, %add3A : i32
    %min3A_49 = arith.constant 124 : i32
    %min3A_50 = arith.minsi %add3A_48, %min3A_49 : i32
    %mul3A_51 = arith.constant 12800 : i32
    %mul3A_52 = arith.muli %min3A_50, %mul3A_51 : i32
    %dma_start3A_53 = arith.constant 0 : i32
    %dma_start3A_54 = tpu.memref_slice %arg2[%dma_start3A_53, %mul3A_52] : memref<2x1600000xi32, #tpu.memory_space<hbm>> -> memref<2x12800xi32, #tpu.memory_space<hbm>>
    %dma_start3A_55 = arith.constant 0 : i32
    %dma_start3A_56 = tpu.memref_slice %arg2[%dma_start3A_55, %mul3A_52] : memref<2x1600000xi32, #tpu.memory_space<hbm>> -> memref<2x12800xi32, #tpu.memory_space<hbm>>
    tpu.enqueue_dma source(%dma_start3A_56 : memref<2x12800xi32, #tpu.memory_space<hbm>>) target(%arg6 : memref<2x12800xi32, #tpu.memory_space<vmem>>) target_semaphore(%arg11 : memref<!tpu.dma_semaphore, #tpu.memory_space<semaphore_mem>>)
    %add3A_57 = arith.constant 32 : i32
    %add3A_58 = arith.addi %add3A_57, %add3A : i32
    %min3A_59 = arith.constant 124 : i32
    %min3A_60 = arith.minsi %add3A_58, %min3A_59 : i32
    %dma_wait3A_61 = tpu.memref_slice %arg4[%add3A_31] : memref<1600000xf32, #tpu.memory_space<hbm>> -> memref<6400xf32, #tpu.memory_space<hbm>>
    %dma_wait3A_62 = tpu.memref_slice %arg4[%add3A_31] : memref<1600000xf32, #tpu.memory_space<hbm>> -> memref<6400xf32, #tpu.memory_space<hbm>>
    tpu.wait_dma2 semaphore(%arg13 : memref<!tpu.dma_semaphore, #tpu.memory_space<semaphore_mem>>) src(%arg8 : memref<6400xf32, #tpu.memory_space<vmem>>) dst(%dma_wait3A_62 : memref<6400xf32, #tpu.memory_space<hbm>>)
    %parallel_loop3A_63 = arith.constant 0 : i32
    %parallel_loop3A_64 = arith.constant 6400 : i32
    %parallel_loop3A_65 = arith.constant 16 : i32
    scf.for %parallel_loop3A_133 = %parallel_loop3A_63 to %parallel_loop3A_64 step %parallel_loop3A_65  : i32 {
      %parallel_loop3A_134 = arith.constant 0 : i32
      %parallel_loop3A_135 = arith.addi %parallel_loop3A_134, %parallel_loop3A_133 : i32
      %parallel_loop3A_136 = arith.constant 0 : i32
      %parallel_loop3A_137 = arith.index_cast %parallel_loop3A_136 : i32 to index
      %parallel_loop3A_138 = arith.index_cast %parallel_loop3A_135 : i32 to index
      %parallel_loop3A_139 = tpu.vector_load %arg7[%parallel_loop3A_137, %parallel_loop3A_138] {strides = array<i32>} : memref<2x12800xi32, #tpu.memory_space<vmem>>, vector<16xi32>,
      %parallel_loop3A_140 = arith.constant 0 : i32
      %parallel_loop3A_141 = arith.addi %parallel_loop3A_140, %parallel_loop3A_133 : i32
      %parallel_loop3A_142 = arith.constant 1 : i32
      %parallel_loop3A_143 = arith.index_cast %parallel_loop3A_142 : i32 to index
      %parallel_loop3A_144 = arith.index_cast %parallel_loop3A_141 : i32 to index
      %parallel_loop3A_145 = tpu.vector_load %arg7[%parallel_loop3A_143, %parallel_loop3A_144] {strides = array<i32>} : memref<2x12800xi32, #tpu.memory_space<vmem>>, vector<16xi32>,
      %parallel_loop3A_146 = tpu.vector_load_idx %arg5[%parallel_loop3A_139] : memref<50176xf32, #tpu.memory_space<vmem>>[vector<16xi32>], vector<16xf32>,
      %parallel_loop3A_147 = tpu.vector_load_idx %arg5[%parallel_loop3A_145] : memref<50176xf32, #tpu.memory_space<vmem>>[vector<16xi32>], vector<16xf32>,
      %parallel_loop3A_148 = arith.mulf %parallel_loop3A_146, %parallel_loop3A_147 : vector<16xf32>
      %parallel_loop3A_149 = arith.index_cast %parallel_loop3A_133 : i32 to index
      %parallel_loop3A_150 = tpu.vector_load %arg8[%parallel_loop3A_149] {strides = array<i32>} : memref<6400xf32, #tpu.memory_space<vmem>>, vector<16xf32>,
      tpu.vector_store %arg8[%parallel_loop3A_149], %parallel_loop3A_148 {strides = array<i32>} : memref<6400xf32, #tpu.memory_space<vmem>>, vector<16xf32>,
    } {sc.loop_unroll_factor = 8 : i64, sc.parallel_access}
    %mul3A_66 = arith.constant 12800 : i32
    %mul3A_67 = arith.muli %min3A_60, %mul3A_66 : i32
    %add3A_68 = arith.constant 0 : i32
    %add3A_69 = arith.addi %mul3A_67, %add3A_68 : i32
    %dma_start3A_70 = tpu.memref_slice %arg4[%add3A_69] : memref<1600000xf32, #tpu.memory_space<hbm>> -> memref<6400xf32, #tpu.memory_space<hbm>>
    %dma_start3A_71 = tpu.memref_slice %arg4[%add3A_69] : memref<1600000xf32, #tpu.memory_space<hbm>> -> memref<6400xf32, #tpu.memory_space<hbm>>
    tpu.enqueue_dma source(%arg8 : memref<6400xf32, #tpu.memory_space<vmem>>) target(%dma_start3A_71 : memref<6400xf32, #tpu.memory_space<hbm>>) target_semaphore(%arg13 : memref<!tpu.dma_semaphore, #tpu.memory_space<semaphore_mem>>)
    %dma_wait3A_72 = tpu.memref_slice %arg4[%add3A_40] : memref<1600000xf32, #tpu.memory_space<hbm>> -> memref<6400xf32, #tpu.memory_space<hbm>>
    %dma_wait3A_73 = tpu.memref_slice %arg4[%add3A_40] : memref<1600000xf32, #tpu.memory_space<hbm>> -> memref<6400xf32, #tpu.memory_space<hbm>>
    tpu.wait_dma2 semaphore(%arg14 : memref<!tpu.dma_semaphore, #tpu.memory_space<semaphore_mem>>) src(%arg9 : memref<6400xf32, #tpu.memory_space<vmem>>) dst(%dma_wait3A_73 : memref<6400xf32, #tpu.memory_space<hbm>>)
    %parallel_loop3A_74 = arith.constant 0 : i32
    %parallel_loop3A_75 = arith.constant 6400 : i32
    %parallel_loop3A_76 = arith.constant 16 : i32
    scf.for %parallel_loop3A_133 = %parallel_loop3A_74 to %parallel_loop3A_75 step %parallel_loop3A_76  : i32 {
      %parallel_loop3A_134 = arith.constant 6400 : i32
      %parallel_loop3A_135 = arith.addi %parallel_loop3A_134, %parallel_loop3A_133 : i32
      %parallel_loop3A_136 = arith.constant 0 : i32
      %parallel_loop3A_137 = arith.index_cast %parallel_loop3A_136 : i32 to index
      %parallel_loop3A_138 = arith.index_cast %parallel_loop3A_135 : i32 to index
      %parallel_loop3A_139 = tpu.vector_load %arg7[%parallel_loop3A_137, %parallel_loop3A_138] {strides = array<i32>} : memref<2x12800xi32, #tpu.memory_space<vmem>>, vector<16xi32>,
      %parallel_loop3A_140 = arith.constant 6400 : i32
      %parallel_loop3A_141 = arith.addi %parallel_loop3A_140, %parallel_loop3A_133 : i32
      %parallel_loop3A_142 = arith.constant 1 : i32
      %parallel_loop3A_143 = arith.index_cast %parallel_loop3A_142 : i32 to index
      %parallel_loop3A_144 = arith.index_cast %parallel_loop3A_141 : i32 to index
      %parallel_loop3A_145 = tpu.vector_load %arg7[%parallel_loop3A_143, %parallel_loop3A_144] {strides = array<i32>} : memref<2x12800xi32, #tpu.memory_space<vmem>>, vector<16xi32>,
      %parallel_loop3A_146 = tpu.vector_load_idx %arg5[%parallel_loop3A_139] : memref<50176xf32, #tpu.memory_space<vmem>>[vector<16xi32>], vector<16xf32>,
      %parallel_loop3A_147 = tpu.vector_load_idx %arg5[%parallel_loop3A_145] : memref<50176xf32, #tpu.memory_space<vmem>>[vector<16xi32>], vector<16xf32>,
      %parallel_loop3A_148 = arith.mulf %parallel_loop3A_146, %parallel_loop3A_147 : vector<16xf32>
      %parallel_loop3A_149 = arith.index_cast %parallel_loop3A_133 : i32 to index
      %parallel_loop3A_150 = tpu.vector_load %arg9[%parallel_loop3A_149] {strides = array<i32>} : memref<6400xf32, #tpu.memory_space<vmem>>, vector<16xf32>,
      tpu.vector_store %arg9[%parallel_loop3A_149], %parallel_loop3A_148 {strides = array<i32>} : memref<6400xf32, #tpu.memory_space<vmem>>, vector<16xf32>,
    } {sc.loop_unroll_factor = 8 : i64, sc.parallel_access}
    %mul3A_77 = arith.constant 12800 : i32
    %mul3A_78 = arith.muli %min3A_60, %mul3A_77 : i32
    %add3A_79 = arith.constant 6400 : i32
    %add3A_80 = arith.addi %mul3A_78, %add3A_79 : i32
    %dma_start3A_81 = tpu.memref_slice %arg4[%add3A_80] : memref<1600000xf32, #tpu.memory_space<hbm>> -> memref<6400xf32, #tpu.memory_space<hbm>>
    %dma_start3A_82 = tpu.memref_slice %arg4[%add3A_80] : memref<1600000xf32, #tpu.memory_space<hbm>> -> memref<6400xf32, #tpu.memory_space<hbm>>
    tpu.enqueue_dma source(%arg9 : memref<6400xf32, #tpu.memory_space<vmem>>) target(%dma_start3A_82 : memref<6400xf32, #tpu.memory_space<hbm>>) target_semaphore(%arg14 : memref<!tpu.dma_semaphore, #tpu.memory_space<semaphore_mem>>)
    %dma_wait3A_83 = arith.constant 0 : i32
    %dma_wait3A_84 = tpu.memref_slice %arg2[%dma_wait3A_83, %mul3A_52] : memref<2x1600000xi32, #tpu.memory_space<hbm>> -> memref<2x12800xi32, #tpu.memory_space<hbm>>
    %dma_wait3A_85 = arith.constant 0 : i32
    %dma_wait3A_86 = tpu.memref_slice %arg2[%dma_wait3A_85, %mul3A_52] : memref<2x1600000xi32, #tpu.memory_space<hbm>> -> memref<2x12800xi32, #tpu.memory_space<hbm>>
    tpu.wait_dma2 semaphore(%arg11 : memref<!tpu.dma_semaphore, #tpu.memory_space<semaphore_mem>>) src(%dma_wait3A_86 : memref<2x12800xi32, #tpu.memory_space<hbm>>) dst(%arg6 : memref<2x12800xi32, #tpu.memory_space<vmem>>)
    %add3A_87 = arith.constant 96 : i32
    %add3A_88 = arith.addi %add3A_87, %add3A : i32
    %min3A_89 = arith.constant 124 : i32
    %min3A_90 = arith.minsi %add3A_88, %min3A_89 : i32
    %mul3A_91 = arith.constant 12800 : i32
    %mul3A_92 = arith.muli %min3A_90, %mul3A_91 : i32
    %dma_start3A_93 = arith.constant 0 : i32
    %dma_start3A_94 = tpu.memref_slice %arg2[%dma_start3A_93, %mul3A_92] : memref<2x1600000xi32, #tpu.memory_space<hbm>> -> memref<2x12800xi32, #tpu.memory_space<hbm>>
    %dma_start3A_95 = arith.constant 0 : i32
    %dma_start3A_96 = tpu.memref_slice %arg2[%dma_start3A_95, %mul3A_92] : memref<2x1600000xi32, #tpu.memory_space<hbm>> -> memref<2x12800xi32, #tpu.memory_space<hbm>>
    tpu.enqueue_dma source(%dma_start3A_96 : memref<2x12800xi32, #tpu.memory_space<hbm>>) target(%arg7 : memref<2x12800xi32, #tpu.memory_space<vmem>>) target_semaphore(%arg12 : memref<!tpu.dma_semaphore, #tpu.memory_space<semaphore_mem>>)
    %add3A_97 = arith.constant 64 : i32
    %add3A_98 = arith.addi %add3A_97, %add3A : i32
    %min3A_99 = arith.constant 124 : i32
    %min3A_100 = arith.minsi %add3A_98, %min3A_99 : i32
    %dma_wait3A_101 = tpu.memref_slice %arg4[%add3A_69] : memref<1600000xf32, #tpu.memory_space<hbm>> -> memref<6400xf32, #tpu.memory_space<hbm>>
    %dma_wait3A_102 = tpu.memref_slice %arg4[%add3A_69] : memref<1600000xf32, #tpu.memory_space<hbm>> -> memref<6400xf32, #tpu.memory_space<hbm>>
    tpu.wait_dma2 semaphore(%arg13 : memref<!tpu.dma_semaphore, #tpu.memory_space<semaphore_mem>>) src(%arg8 : memref<6400xf32, #tpu.memory_space<vmem>>) dst(%dma_wait3A_102 : memref<6400xf32, #tpu.memory_space<hbm>>)
    %parallel_loop3A_103 = arith.constant 0 : i32
    %parallel_loop3A_104 = arith.constant 6400 : i32
    %parallel_loop3A_105 = arith.constant 16 : i32
    scf.for %parallel_loop3A_133 = %parallel_loop3A_103 to %parallel_loop3A_104 step %parallel_loop3A_105  : i32 {
      %parallel_loop3A_134 = arith.constant 0 : i32
      %parallel_loop3A_135 = arith.addi %parallel_loop3A_134, %parallel_loop3A_133 : i32
      %parallel_loop3A_136 = arith.constant 0 : i32
      %parallel_loop3A_137 = arith.index_cast %parallel_loop3A_136 : i32 to index
      %parallel_loop3A_138 = arith.index_cast %parallel_loop3A_135 : i32 to index
      %parallel_loop3A_139 = tpu.vector_load %arg6[%parallel_loop3A_137, %parallel_loop3A_138] {strides = array<i32>} : memref<2x12800xi32, #tpu.memory_space<vmem>>, vector<16xi32>,
      %parallel_loop3A_140 = arith.constant 0 : i32
      %parallel_loop3A_141 = arith.addi %parallel_loop3A_140, %parallel_loop3A_133 : i32
      %parallel_loop3A_142 = arith.constant 1 : i32
      %parallel_loop3A_143 = arith.index_cast %parallel_loop3A_142 : i32 to index
      %parallel_loop3A_144 = arith.index_cast %parallel_loop3A_141 : i32 to index
      %parallel_loop3A_145 = tpu.vector_load %arg6[%parallel_loop3A_143, %parallel_loop3A_144] {strides = array<i32>} : memref<2x12800xi32, #tpu.memory_space<vmem>>, vector<16xi32>,
      %parallel_loop3A_146 = tpu.vector_load_idx %arg5[%parallel_loop3A_139] : memref<50176xf32, #tpu.memory_space<vmem>>[vector<16xi32>], vector<16xf32>,
      %parallel_loop3A_147 = tpu.vector_load_idx %arg5[%parallel_loop3A_145] : memref<50176xf32, #tpu.memory_space<vmem>>[vector<16xi32>], vector<16xf32>,
      %parallel_loop3A_148 = arith.mulf %parallel_loop3A_146, %parallel_loop3A_147 : vector<16xf32>
      %parallel_loop3A_149 = arith.index_cast %parallel_loop3A_133 : i32 to index
      %parallel_loop3A_150 = tpu.vector_load %arg8[%parallel_loop3A_149] {strides = array<i32>} : memref<6400xf32, #tpu.memory_space<vmem>>, vector<16xf32>,
      tpu.vector_store %arg8[%parallel_loop3A_149], %parallel_loop3A_148 {strides = array<i32>} : memref<6400xf32, #tpu.memory_space<vmem>>, vector<16xf32>,
    } {sc.loop_unroll_factor = 8 : i64, sc.parallel_access}
    %mul3A_106 = arith.constant 12800 : i32
    %mul3A_107 = arith.muli %min3A_100, %mul3A_106 : i32
    %add3A_108 = arith.constant 0 : i32
    %add3A_109 = arith.addi %mul3A_107, %add3A_108 : i32
    %dma_start3A_110 = tpu.memref_slice %arg4[%add3A_109] : memref<1600000xf32, #tpu.memory_space<hbm>> -> memref<6400xf32, #tpu.memory_space<hbm>>
    %dma_start3A_111 = tpu.memref_slice %arg4[%add3A_109] : memref<1600000xf32, #tpu.memory_space<hbm>> -> memref<6400xf32, #tpu.memory_space<hbm>>
    tpu.enqueue_dma source(%arg8 : memref<6400xf32, #tpu.memory_space<vmem>>) target(%dma_start3A_111 : memref<6400xf32, #tpu.memory_space<hbm>>) target_semaphore(%arg13 : memref<!tpu.dma_semaphore, #tpu.memory_space<semaphore_mem>>)
    %dma_wait3A_112 = tpu.memref_slice %arg4[%add3A_80] : memref<1600000xf32, #tpu.memory_space<hbm>> -> memref<6400xf32, #tpu.memory_space<hbm>>
    %dma_wait3A_113 = tpu.memref_slice %arg4[%add3A_80] : memref<1600000xf32, #tpu.memory_space<hbm>> -> memref<6400xf32, #tpu.memory_space<hbm>>
    tpu.wait_dma2 semaphore(%arg14 : memref<!tpu.dma_semaphore, #tpu.memory_space<semaphore_mem>>) src(%arg9 : memref<6400xf32, #tpu.memory_space<vmem>>) dst(%dma_wait3A_113 : memref<6400xf32, #tpu.memory_space<hbm>>)
    %parallel_loop3A_114 = arith.constant 0 : i32
    %parallel_loop3A_115 = arith.constant 6400 : i32
    %parallel_loop3A_116 = arith.constant 16 : i32
    scf.for %parallel_loop3A_133 = %parallel_loop3A_114 to %parallel_loop3A_115 step %parallel_loop3A_116  : i32 {
      %parallel_loop3A_134 = arith.constant 6400 : i32
      %parallel_loop3A_135 = arith.addi %parallel_loop3A_134, %parallel_loop3A_133 : i32
      %parallel_loop3A_136 = arith.constant 0 : i32
      %parallel_loop3A_137 = arith.index_cast %parallel_loop3A_136 : i32 to index
      %parallel_loop3A_138 = arith.index_cast %parallel_loop3A_135 : i32 to index
      %parallel_loop3A_139 = tpu.vector_load %arg6[%parallel_loop3A_137, %parallel_loop3A_138] {strides = array<i32>} : memref<2x12800xi32, #tpu.memory_space<vmem>>, vector<16xi32>,
      %parallel_loop3A_140 = arith.constant 6400 : i32
      %parallel_loop3A_141 = arith.addi %parallel_loop3A_140, %parallel_loop3A_133 : i32
      %parallel_loop3A_142 = arith.constant 1 : i32
      %parallel_loop3A_143 = arith.index_cast %parallel_loop3A_142 : i32 to index
      %parallel_loop3A_144 = arith.index_cast %parallel_loop3A_141 : i32 to index
      %parallel_loop3A_145 = tpu.vector_load %arg6[%parallel_loop3A_143, %parallel_loop3A_144] {strides = array<i32>} : memref<2x12800xi32, #tpu.memory_space<vmem>>, vector<16xi32>,
      %parallel_loop3A_146 = tpu.vector_load_idx %arg5[%parallel_loop3A_139] : memref<50176xf32, #tpu.memory_space<vmem>>[vector<16xi32>], vector<16xf32>,
      %parallel_loop3A_147 = tpu.vector_load_idx %arg5[%parallel_loop3A_145] : memref<50176xf32, #tpu.memory_space<vmem>>[vector<16xi32>], vector<16xf32>,
      %parallel_loop3A_148 = arith.mulf %parallel_loop3A_146, %parallel_loop3A_147 : vector<16xf32>
      %parallel_loop3A_149 = arith.index_cast %parallel_loop3A_133 : i32 to index
      %parallel_loop3A_150 = tpu.vector_load %arg9[%parallel_loop3A_149] {strides = array<i32>} : memref<6400xf32, #tpu.memory_space<vmem>>, vector<16xf32>,
      tpu.vector_store %arg9[%parallel_loop3A_149], %parallel_loop3A_148 {strides = array<i32>} : memref<6400xf32, #tpu.memory_space<vmem>>, vector<16xf32>,
    } {sc.loop_unroll_factor = 8 : i64, sc.parallel_access}
    %mul3A_117 = arith.constant 12800 : i32
    %mul3A_118 = arith.muli %min3A_100, %mul3A_117 : i32
    %add3A_119 = arith.constant 6400 : i32
    %add3A_120 = arith.addi %mul3A_118, %add3A_119 : i32
    %dma_start3A_121 = tpu.memref_slice %arg4[%add3A_120] : memref<1600000xf32, #tpu.memory_space<hbm>> -> memref<6400xf32, #tpu.memory_space<hbm>>
    %dma_start3A_122 = tpu.memref_slice %arg4[%add3A_120] : memref<1600000xf32, #tpu.memory_space<hbm>> -> memref<6400xf32, #tpu.memory_space<hbm>>
    tpu.enqueue_dma source(%arg9 : memref<6400xf32, #tpu.memory_space<vmem>>) target(%dma_start3A_122 : memref<6400xf32, #tpu.memory_space<hbm>>) target_semaphore(%arg14 : memref<!tpu.dma_semaphore, #tpu.memory_space<semaphore_mem>>)
    %dma_wait3A_123 = arith.constant 0 : i32
    %dma_wait3A_124 = tpu.memref_slice %arg2[%dma_wait3A_123, %mul3A_92] : memref<2x1600000xi32, #tpu.memory_space<hbm>> -> memref<2x12800xi32, #tpu.memory_space<hbm>>
    %dma_wait3A_125 = arith.constant 0 : i32
    %dma_wait3A_126 = tpu.memref_slice %arg2[%dma_wait3A_125, %mul3A_92] : memref<2x1600000xi32, #tpu.memory_space<hbm>> -> memref<2x12800xi32, #tpu.memory_space<hbm>>
    tpu.wait_dma2 semaphore(%arg12 : memref<!tpu.dma_semaphore, #tpu.memory_space<semaphore_mem>>) src(%dma_wait3A_126 : memref<2x12800xi32, #tpu.memory_space<hbm>>) dst(%arg7 : memref<2x12800xi32, #tpu.memory_space<vmem>>)
    %dma_wait3A_127 = tpu.memref_slice %arg4[%add3A_109] : memref<1600000xf32, #tpu.memory_space<hbm>> -> memref<6400xf32, #tpu.memory_space<hbm>>
    %dma_wait3A_128 = tpu.memref_slice %arg4[%add3A_109] : memref<1600000xf32, #tpu.memory_space<hbm>> -> memref<6400xf32, #tpu.memory_space<hbm>>
    tpu.wait_dma2 semaphore(%arg13 : memref<!tpu.dma_semaphore, #tpu.memory_space<semaphore_mem>>) src(%arg8 : memref<6400xf32, #tpu.memory_space<vmem>>) dst(%dma_wait3A_128 : memref<6400xf32, #tpu.memory_space<hbm>>)
    %dma_wait3A_129 = tpu.memref_slice %arg4[%add3A_120] : memref<1600000xf32, #tpu.memory_space<hbm>> -> memref<6400xf32, #tpu.memory_space<hbm>>
    %dma_wait3A_130 = tpu.memref_slice %arg4[%add3A_120] : memref<1600000xf32, #tpu.memory_space<hbm>> -> memref<6400xf32, #tpu.memory_space<hbm>>
    tpu.wait_dma2 semaphore(%arg14 : memref<!tpu.dma_semaphore, #tpu.memory_space<semaphore_mem>>) src(%arg9 : memref<6400xf32, #tpu.memory_space<vmem>>) dst(%dma_wait3A_130 : memref<6400xf32, #tpu.memory_space<hbm>>)
    %lt3A = arith.constant 29 : i32
    %lt3A_131 = arith.cmpi slt, %add3A, %lt3A : i32
    %convert_element_type3A = arith.extui %lt3A_131 : i1 to i32
    %cond3A = arith.constant 0 : i32
    %cond3A_132 = arith.cmpi ne, %convert_element_type3A, %cond3A : i32
    scf.if %cond3A_132 {
      %add3A_133 = arith.constant 96 : i32
      %add3A_134 = arith.addi %add3A_133, %add3A : i32
      %min3A_135 = arith.constant 124 : i32
      %min3A_136 = arith.minsi %add3A_134, %min3A_135 : i32
      %parallel_loop3A_137 = arith.constant 0 : i32
      %parallel_loop3A_138 = arith.constant 6400 : i32
      %parallel_loop3A_139 = arith.constant 16 : i32
      scf.for %parallel_loop3A_151 = %parallel_loop3A_137 to %parallel_loop3A_138 step %parallel_loop3A_139  : i32 {
        %parallel_loop3A_152 = arith.constant 0 : i32
        %parallel_loop3A_153 = arith.addi %parallel_loop3A_152, %parallel_loop3A_151 : i32
        %parallel_loop3A_154 = arith.constant 0 : i32
        %parallel_loop3A_155 = arith.index_cast %parallel_loop3A_154 : i32 to index
        %parallel_loop3A_156 = arith.index_cast %parallel_loop3A_153 : i32 to index
        %parallel_loop3A_157 = tpu.vector_load %arg7[%parallel_loop3A_155, %parallel_loop3A_156] {strides = array<i32>} : memref<2x12800xi32, #tpu.memory_space<vmem>>, vector<16xi32>,
        %parallel_loop3A_158 = arith.constant 0 : i32
        %parallel_loop3A_159 = arith.addi %parallel_loop3A_158, %parallel_loop3A_151 : i32
        %parallel_loop3A_160 = arith.constant 1 : i32
        %parallel_loop3A_161 = arith.index_cast %parallel_loop3A_160 : i32 to index
        %parallel_loop3A_162 = arith.index_cast %parallel_loop3A_159 : i32 to index
        %parallel_loop3A_163 = tpu.vector_load %arg7[%parallel_loop3A_161, %parallel_loop3A_162] {strides = array<i32>} : memref<2x12800xi32, #tpu.memory_space<vmem>>, vector<16xi32>,
        %parallel_loop3A_164 = tpu.vector_load_idx %arg5[%parallel_loop3A_157] : memref<50176xf32, #tpu.memory_space<vmem>>[vector<16xi32>], vector<16xf32>,
        %parallel_loop3A_165 = tpu.vector_load_idx %arg5[%parallel_loop3A_163] : memref<50176xf32, #tpu.memory_space<vmem>>[vector<16xi32>], vector<16xf32>,
        %parallel_loop3A_166 = arith.mulf %parallel_loop3A_164, %parallel_loop3A_165 : vector<16xf32>
        %parallel_loop3A_167 = arith.index_cast %parallel_loop3A_151 : i32 to index
        %parallel_loop3A_168 = tpu.vector_load %arg8[%parallel_loop3A_167] {strides = array<i32>} : memref<6400xf32, #tpu.memory_space<vmem>>, vector<16xf32>,
        tpu.vector_store %arg8[%parallel_loop3A_167], %parallel_loop3A_166 {strides = array<i32>} : memref<6400xf32, #tpu.memory_space<vmem>>, vector<16xf32>,
      } {sc.loop_unroll_factor = 8 : i64, sc.parallel_access}
      %mul3A_140 = arith.constant 12800 : i32
      %mul3A_141 = arith.muli %min3A_136, %mul3A_140 : i32
      %add3A_142 = arith.constant 0 : i32
      %add3A_143 = arith.addi %mul3A_141, %add3A_142 : i32
      "tpu.region"() ({
        %run_scoped3A = tpu.sem_alloc : memref<!tpu.dma_semaphore, #tpu.memory_space<semaphore_mem>>
        %dma_start3A_151 = tpu.memref_slice %arg4[%add3A_143] : memref<1600000xf32, #tpu.memory_space<hbm>> -> memref<6400xf32, #tpu.memory_space<hbm>>
        %dma_start3A_152 = tpu.memref_slice %arg4[%add3A_143] : memref<1600000xf32, #tpu.memory_space<hbm>> -> memref<6400xf32, #tpu.memory_space<hbm>>
        tpu.enqueue_dma source(%arg8 : memref<6400xf32, #tpu.memory_space<vmem>>) target(%dma_start3A_152 : memref<6400xf32, #tpu.memory_space<hbm>>) target_semaphore(%run_scoped3A : memref<!tpu.dma_semaphore, #tpu.memory_space<semaphore_mem>>)
        %dma_wait3A_153 = tpu.memref_slice %arg4[%add3A_143] : memref<1600000xf32, #tpu.memory_space<hbm>> -> memref<6400xf32, #tpu.memory_space<hbm>>
        %dma_wait3A_154 = tpu.memref_slice %arg4[%add3A_143] : memref<1600000xf32, #tpu.memory_space<hbm>> -> memref<6400xf32, #tpu.memory_space<hbm>>
        tpu.wait_dma2 semaphore(%run_scoped3A : memref<!tpu.dma_semaphore, #tpu.memory_space<semaphore_mem>>) src(%arg8 : memref<6400xf32, #tpu.memory_space<vmem>>) dst(%dma_wait3A_154 : memref<6400xf32, #tpu.memory_space<hbm>>)
        tpu.yield
      }) : () -> ()
      %parallel_loop3A_144 = arith.constant 0 : i32
      %parallel_loop3A_145 = arith.constant 6400 : i32
      %parallel_loop3A_146 = arith.constant 16 : i32
      scf.for %parallel_loop3A_151 = %parallel_loop3A_144 to %parallel_loop3A_145 step %parallel_loop3A_146  : i32 {
        %parallel_loop3A_152 = arith.constant 6400 : i32
        %parallel_loop3A_153 = arith.addi %parallel_loop3A_152, %parallel_loop3A_151 : i32
        %parallel_loop3A_154 = arith.constant 0 : i32
        %parallel_loop3A_155 = arith.index_cast %parallel_loop3A_154 : i32 to index
        %parallel_loop3A_156 = arith.index_cast %parallel_loop3A_153 : i32 to index
        %parallel_loop3A_157 = tpu.vector_load %arg7[%parallel_loop3A_155, %parallel_loop3A_156] {strides = array<i32>} : memref<2x12800xi32, #tpu.memory_space<vmem>>, vector<16xi32>,
        %parallel_loop3A_158 = arith.constant 6400 : i32
        %parallel_loop3A_159 = arith.addi %parallel_loop3A_158, %parallel_loop3A_151 : i32
        %parallel_loop3A_160 = arith.constant 1 : i32
        %parallel_loop3A_161 = arith.index_cast %parallel_loop3A_160 : i32 to index
        %parallel_loop3A_162 = arith.index_cast %parallel_loop3A_159 : i32 to index
        %parallel_loop3A_163 = tpu.vector_load %arg7[%parallel_loop3A_161, %parallel_loop3A_162] {strides = array<i32>} : memref<2x12800xi32, #tpu.memory_space<vmem>>, vector<16xi32>,
        %parallel_loop3A_164 = tpu.vector_load_idx %arg5[%parallel_loop3A_157] : memref<50176xf32, #tpu.memory_space<vmem>>[vector<16xi32>], vector<16xf32>,
        %parallel_loop3A_165 = tpu.vector_load_idx %arg5[%parallel_loop3A_163] : memref<50176xf32, #tpu.memory_space<vmem>>[vector<16xi32>], vector<16xf32>,
        %parallel_loop3A_166 = arith.mulf %parallel_loop3A_164, %parallel_loop3A_165 : vector<16xf32>
        %parallel_loop3A_167 = arith.index_cast %parallel_loop3A_151 : i32 to index
        %parallel_loop3A_168 = tpu.vector_load %arg9[%parallel_loop3A_167] {strides = array<i32>} : memref<6400xf32, #tpu.memory_space<vmem>>, vector<16xf32>,
        tpu.vector_store %arg9[%parallel_loop3A_167], %parallel_loop3A_166 {strides = array<i32>} : memref<6400xf32, #tpu.memory_space<vmem>>, vector<16xf32>,
      } {sc.loop_unroll_factor = 8 : i64, sc.parallel_access}
      %mul3A_147 = arith.constant 12800 : i32
      %mul3A_148 = arith.muli %min3A_136, %mul3A_147 : i32
      %add3A_149 = arith.constant 6400 : i32
      %add3A_150 = arith.addi %mul3A_148, %add3A_149 : i32
      "tpu.region"() ({
        %run_scoped3A = tpu.sem_alloc : memref<!tpu.dma_semaphore, #tpu.memory_space<semaphore_mem>>
        %dma_start3A_151 = tpu.memref_slice %arg4[%add3A_150] : memref<1600000xf32, #tpu.memory_space<hbm>> -> memref<6400xf32, #tpu.memory_space<hbm>>
        %dma_start3A_152 = tpu.memref_slice %arg4[%add3A_150] : memref<1600000xf32, #tpu.memory_space<hbm>> -> memref<6400xf32, #tpu.memory_space<hbm>>
        tpu.enqueue_dma source(%arg9 : memref<6400xf32, #tpu.memory_space<vmem>>) target(%dma_start3A_152 : memref<6400xf32, #tpu.memory_space<hbm>>) target_semaphore(%run_scoped3A : memref<!tpu.dma_semaphore, #tpu.memory_space<semaphore_mem>>)
        %dma_wait3A_153 = tpu.memref_slice %arg4[%add3A_150] : memref<1600000xf32, #tpu.memory_space<hbm>> -> memref<6400xf32, #tpu.memory_space<hbm>>
        %dma_wait3A_154 = tpu.memref_slice %arg4[%add3A_150] : memref<1600000xf32, #tpu.memory_space<hbm>> -> memref<6400xf32, #tpu.memory_space<hbm>>
        tpu.wait_dma2 semaphore(%run_scoped3A : memref<!tpu.dma_semaphore, #tpu.memory_space<semaphore_mem>>) src(%arg9 : memref<6400xf32, #tpu.memory_space<vmem>>) dst(%dma_wait3A_154 : memref<6400xf32, #tpu.memory_space<hbm>>)
        tpu.yield
      }) : () -> ()
    } else {
    }
    return
  }
}

module attributes {stable_mosaic.version = 14 : i64} {
  func.func @_reduce_rsqrt_body(%arg0: memref<32x392x128xf32, #tpu.memory_space<vmem>>, %arg1: memref<392x128xf32, #tpu.memory_space<vmem>>) attributes {dimension_semantics = [], scalar_prefetch = 0 : i64, scratch_operands = 0 : i64, tpu.core_type = #tpu.core_type<tc>} {
    %get3A = arith.constant 0 : index
    %get3A_0 = arith.constant 0 : index
    %get3A_1 = arith.constant 0 : index
    %get3A_2 = vector.load %arg0[%get3A, %get3A_0, %get3A_1] : memref<32x392x128xf32, #tpu.memory_space<vmem>>, vector<32x392x128xf32>
    %reduce_sum3A = arith.constant dense<0.000000e+00> : vector<392x128xf32>
    %reduce_sum3A_3 = vector.multi_reduction <add>, %get3A_2, %reduce_sum3A [0] : vector<32x392x128xf32> to vector<392x128xf32>
    %gt3A = arith.constant 0.000000e+00 : f32
    %gt3A_4 = vector.broadcast %gt3A : f32 to vector<392x128xf32>
    %gt3A_5 = arith.cmpf ogt, %reduce_sum3A_3, %gt3A_4 : vector<392x128xf32>
    %rsqrt3A = math.rsqrt %reduce_sum3A_3 : vector<392x128xf32>
    %jit3A = arith.constant 0.000000e+00 : f32
    %broadcast_in_dim3A = vector.broadcast %jit3A : f32 to vector<392x128xf32>
    %select_n3A = arith.select %gt3A_5, %rsqrt3A, %broadcast_in_dim3A : vector<392x128xi1>, vector<392x128xf32>
    %swap3A = arith.constant 0 : index
    %swap3A_6 = arith.constant 0 : index
    %swap3A_7 = vector.load %arg1[%swap3A, %swap3A_6] : memref<392x128xf32, #tpu.memory_space<vmem>>, vector<392x128xf32>
    tpu.vector_store %arg1[%swap3A, %swap3A_6], %select_n3A {strides = array<i32>} : memref<392x128xf32, #tpu.memory_space<vmem>>, vector<392x128xf32>,
    return
  }
}

</mosaic_0001>

<sc_bundles>
// kernel: kernel.5.cloned.1.call-start
scs
__scs_entry_jumppad:
0x0: {  	(pc) =	sbr.rel $0x88, $3  }
0x1: {  	(tag) =	ssettag $0x0;
	lr =	simm.s32 $0x1  }
0x2: {  	[smem:$0x3FA0] =	sst lr;
	_ =	strace $0xD0000000  }
0x3: {  	_ = 	snop  }
0x4: {  	_ = 	snop  }
0x5: {  	_ = 	snop  }
0x6: {  	_ = 	snop  }
0x7: {  	_ = 	snop  }
__scs_overlays_trampoline_lowered:
0x8: {  	[smem:$0x3FAF] =	sst s0  }
0x9: {  	[smem:$0x3FB0] =	sst s1  }
0xa: {  	[smem:$0x3FB1] =	sst s2  }
0xb: {  	[smem:$0x3FB2] =	sst s3  }
0xc: {  	[smem:$0x3FB3] =	sst s4  }
0xd: {  	[smem:$0x3FB4] =	sst s5  }
0xe: {  	[smem:$0x3FB5] =	sst s6  }
0xf: {  	[smem:$0x3FB6] =	sst s7  }
0x10: {  	[smem:$0x3FB7] =	sst s8  }
0x11: {  	[smem:$0x3FB8] =	sst s9;
	s0 =	simm.s32 @!p0 $0x0  }
0x12: {  	s1 =	sld [smem:$0x3F9E];
	s0 =	simm.s32 @p0 $0x1  }
0x13: {  	[smem:$0x3FB9] =	sst s0;
	s0 =	simm.s32 @!p1 $0x0  }
0x14: {  	s2 =	sld [smem:$0x3F9D];
	s0 =	simm.s32 @p1 $0x1  }
0x15: {  	[smem:$0x3FBA] =	sst s0;
	s0 =	simm.s32 @!p2 $0x0  }
0x16: {  	s3 =	sld [smem:$0x3FDB];
	s0 =	simm.s32 @p2 $0x1  }
0x17: {  	s4 =	simm.s32 $0x1BF5;
	[smem:$0x3FBC] =	sst s0  }
0x18: {  	s0 =	sld [smem:$0x3F9F];
	_ =	swait.ge [sflag:s4], $0x0  }
0x19: {  	s7 =	sld [smem:$0x3FA0]  }
0x1a: {  	s8 =	sadd.s32 $0xFFFFE003, lr  }
0x1b: {  	s9 =	sadd.s32 $0xFFFFFEF7, lr;
	s5 =	simm.s32 $0xFFFFFFFF;
	p2 =	slt.u32 s8, $0xFFFFF086  }
0x1c: {  	p1 =	slt.u32 s9, $0xF7A;
	s5 =	simm.s32 @!p2 $0x0  }
0x1d: {  	s5 =	simm.s32 @p1 $0x1;
	p0 =	seq.s32 s7, s2  }
0x1e: {  	s7 =	smul.u32 @!p0 $0xF7A, s2;
	p2 =	seq.s32 @!p0 s5, $0x0  }
0x1f: {  	s9 =	smul.u32 $0xF7A, s1;
	s8 =	simm.s32 @!p0 $0x1BF5;
	p2 =	por !p2, p0  }
0x20: {  	[sflag:s8] =	ssyncset.s32 @!p0 $0xFFFFF086;
	s6 =	sadd.s32 @!p0 s3, s7;
	s7 =	simm.s32 @!p0 $0x108  }
0x21: {  	s3 =	sadd.s32 s3, s9;
	s6 =	sadd.s32 @!p0 $0x88, s6;
	s7 =	simm.s32 @p2 $0x1082  }
0x22: {  	[simem:s7], [sflag:s8] =	dma.local @!p0 [hbm:s6], $0xF7A  }
0x23: {  	s9 =	sor.u32 $0xD0000000, s2;
	s6 =	simm.s32 $0x108;
	_ =	swait.ge @!p0 [sflag:s8], $0x0  }
0x24: {  	s3 =	sadd.s32 $0x88, s3;
	s6 =	simm.s32 @!p1 $0x1082;
	[sflag:s4] =	ssyncset.s32 $0xFFFFF086  }
0x25: {  	[simem:s6], [sflag:s4] =	dma.local [hbm:s3], $0xF7A  }
0x26: {  	[smem:$0x3FA0] =	sst s1;
	(tag) =	ssettag s2;
	_ =	strace s9  }
0x27: {  	s1 =	sld [smem:$0x3FB0]  }
0x28: {  	s2 =	sld [smem:$0x3FB1]  }
0x29: {  	s4 =	sld [smem:$0x3FB3]  }
0x2a: {  	p0 =	seq.s32 s5, $0x0;
	s5 =	sld [smem:$0x3FB4]  }
0x2b: {  	s6 =	sld [smem:$0x3FB5]  }
0x2c: {  	s7 =	sld [smem:$0x3FB6]  }
0x2d: {  	s3 =	simm.s32 $0x108;
	s8 =	sld [smem:$0x3FB7]  }
0x2e: {  	s3 =	simm.s32 @!p0 $0x1082;
	s9 =	sld [smem:$0x3FB8]  }
0x2f: {  	lr =	sadd.s32 s0, s3;
	s0 =	sld [smem:$0x3FAF]  }
0x30: {  	s3 =	sld [smem:$0x3FB2]  }
0x31: {  	[smem:$0x3FBB] =	sst s10  }
0x32: {  	s10 =	sld [smem:$0x3FB9];
	_ =	sdelay $0x3  }
0x33: {  	p0 =	seq.s32 s10, $0x1;
	s10 =	sld [smem:$0x3FBB];
	_ =	sdelay $0x3  }
0x34: {  	[smem:$0x3FBB] =	sst s10  }
0x35: {  	s10 =	sld [smem:$0x3FBA];
	_ =	sdelay $0x3  }
0x36: {  	p1 =	seq.s32 s10, $0x1;
	s10 =	sld [smem:$0x3FBB];
	_ =	sdelay $0x3  }
0x37: {  	[smem:$0x3FBB] =	sst s10  }
0x38: {  	s10 =	sld [smem:$0x3FBC]  }
0x39: {  	_ = 	snop;
	(pc) =	sbr.ind lr, $3  }
0x3a: {  	_ = 	snop  }
0x3b: {  	_ = 	snop  }
0x3c: {  	p2 =	seq.s32 s10, $0x1;
	s10 =	sld [smem:$0x3FBB]  }
0x3d: {  	_ =	shalt  }
0x3e: {  	_ =	shalt  }
0x3f: {  	_ =	shalt  }
0x40: {  	_ =	shalt  }
0x41: {  	_ =	shalt  }
0x42: {  	_ =	shalt  }
0x43: {  	_ =	shalt  }
0x44: {  	_ =	shalt  }
0x45: {  	_ =	shalt  }
0x46: {  	_ =	shalt  }
0x47: {  	_ =	shalt  }
0x48: {  	_ =	shalt  }
0x49: {  	_ =	shalt  }
0x4a: {  	_ =	shalt  }
0x4b: {  	_ =	shalt  }
0x4c: {  	_ =	shalt  }
0x4d: {  	_ =	shalt  }
0x4e: {  	_ =	shalt  }
0x4f: {  	_ =	shalt  }
0x50: {  	_ =	shalt  }
0x51: {  	_ =	shalt  }
0x52: {  	_ =	shalt  }
0x53: {  	_ =	shalt  }
0x54: {  	_ =	shalt  }
0x55: {  	_ =	shalt  }
0x56: {  	_ =	shalt  }
0x57: {  	_ =	shalt  }
0x58: {  	_ =	shalt  }
0x59: {  	_ =	shalt  }
0x5a: {  	_ =	shalt  }
0x5b: {  	_ =	shalt  }
0x5c: {  	_ =	shalt  }
0x5d: {  	_ =	shalt  }
0x5e: {  	_ =	shalt  }
0x5f: {  	_ =	shalt  }
0x60: {  	_ =	shalt  }
0x61: {  	_ =	shalt  }
0x62: {  	_ =	shalt  }
0x63: {  	_ =	shalt  }
0x64: {  	_ =	shalt  }
0x65: {  	_ =	shalt  }
0x66: {  	_ =	shalt  }
0x67: {  	_ =	shalt  }
0x68: {  	_ =	shalt  }
0x69: {  	_ =	shalt  }
0x6a: {  	_ =	shalt  }
0x6b: {  	_ =	shalt  }
0x6c: {  	_ =	shalt  }
0x6d: {  	_ =	shalt  }
0x6e: {  	_ =	shalt  }
0x6f: {  	_ =	shalt  }
0x70: {  	_ =	shalt  }
0x71: {  	_ =	shalt  }
0x72: {  	_ =	shalt  }
0x73: {  	_ =	shalt  }
0x74: {  	_ =	shalt  }
0x75: {  	_ =	shalt  }
0x76: {  	_ =	shalt  }
0x77: {  	_ =	shalt  }
0x78: {  	_ =	shalt  }
0x79: {  	_ =	shalt  }
0x7a: {  	_ =	shalt  }
0x7b: {  	_ =	shalt  }
0x7c: {  	_ =	shalt  }
0x7d: {  	_ =	shalt  }
0x7e: {  	_ =	shalt  }
0x7f: {  	_ =	shalt  }
0x80: {  	_ =	shalt  }
0x81: {  	_ =	shalt  }
0x82: {  	_ =	shalt  }
0x83: {  	_ =	shalt  }
0x84: {  	_ =	shalt  }
0x85: {  	_ =	shalt  }
0x86: {  	_ =	shalt  }
0x87: {  	_ =	shalt  }
.Lfunc_end0:
.L_simem_size_0:
called_computation_lowered:
.L_overlay_start_0:
0x88: {  	s2 =	sld [smem:$0x3FD9]  }
0x89: {  	s3 =	sld [smem:$0x3FFE];
	_ =	sdelay $0x1  }
0x8a: {  	s1 =	srdreg.scid  }
0x8b: {  	s0 =	sand.u32 $0x1, s1  }
0x8c: {  	s17 =	sshll.u32 s0, $0xA;
	s2 =	sadd.s32 s3, s2  }
0x8d: {  	s2 =	sadd.s32 s2, s17  }
0x8e: {  	[smem:$0x3FC7] =	sst s2  }
0x8f: {  	_ = 	snop  }
0x90: {  	s2 =	sld [smem:$0x3FC9];
	(tm) =	ssettm $0x1  }
0x91: {  	s18 =	sld [smem:$0x3FFB];
	_ =	sdelay $0x3  }
0x92: {  	_ =	strace s18  }
0x93: {  	s3 =	sld [smem:$0x3FFC];
	_ =	sdelay $0x3  }
0x94: {  	_ =	strace s3  }
0x95: {  	s3 =	sld [smem:$0x3FFD];
	_ =	sdelay $0x3  }
0x96: {  	_ =	strace s3  }
0x97: {  	_ =	strace $0x8FFFFFFF  }
0x98: {  	s19 =	sld [smem:$0x3FDB];
	_ =	sdelay $0x1  }
0x99: {  	s4 =	simm.s32 $_scs_section_size  }
0x9a: {  	s5 =	simm.s32 $_size__tile_overlayer_lowered;
	s6 =	simm.s32 $_tile_overlayer_lowered  }
0x9b: {  	s22 =	simm.s32 $0x1BFF;
	s21 =	sshll.u32 s6, $0x1;
	s3 =	sadd.s32 s4, s19  }
0x9c: {  	s7 =	simm.s32 $0x0;
	s20 =	sshll.u32 s5, $0x1;
	s5 =	sadd.s32 s21, s3  }
0x9d: {  	[timem:s7], [sflag:s22] =	dma.local [hbm:s5], s20  }
0x9e: {  	_ =	swait.ge [sflag:s22], s20  }
0x9f: {  	s4 =	ssub.s32 $0x0, s20;
	[sflag:s22] =	ssyncset.done $0x0  }
0xa0: {  	[sflag:s22] =	ssyncadd.s32 s4;
	_ =	sdelay $0x1  }
0xa1: {  	s23 =	simm.s32 $0x1B8B  }
0xa2: {  	_ =	swait.ge [sflag:s23], $0x1  }
0xa3: {  	[sflag:s23] =	ssyncset.done $0x0  }
0xa4: {  	s25 =	simm.s32 $0x1B8E;
	s24 =	sld [smem:$0x3FFE];
	[sflag:s23] =	ssyncadd.s32 $0xFFFFFFFF  }
0xa5: {  	s26 =	simm.s32 $execute0_lowered;
	[smem:$0x3FD2] =	sst s25  }
0xa6: {  	s5 =	sshll.u32 s26, $0x1;
	_ =	strace $0x80000046;
	[dreg:$0x1] =	wrdreg $0xFFFFFFFF  }
0xa7: {  	s28 =	simm.s32 $_size_execute0_lowered;
	s3 =	sadd.s32 s3, s5;
	[dreg:$0x0] =	wrdreg $0x0  }
0xa8: {  	s5 =	sshll.u32 s28, $0x1;
	[dreg:$0x2] =	wrdreg s3  }
0xa9: {  	[dreg:$0x3] =	wrdreg s5  }
0xaa: {  	[dreg:$0x4] =	wrdreg $0xC0  }
0xab: {  	_ =	task [dreg:s7], $0x5FFFF  }
0xac: {  	[dreg:$0x1] =	wrdreg $0xFFFFFFFF  }
0xad: {  	[dreg:$0x0] =	wrdreg $0x60  }
0xae: {  	[dreg:$0x2] =	wrdreg s2  }
0xaf: {  	[dreg:$0x3] =	wrdreg s24  }
0xb0: {  	[dreg:$0x4] =	wrdreg $0x9  }
0xb1: {  	_ =	task.clear_ibuf [dreg:s7], $0x5FFFF;
	_ =	strace $0x90000046  }
0xb2: {  	s29 =	simm.s32 $0x9;
	_ =	strace $0x80000048  }
0xb3: {  	_ =	swait.ge [sflag:s29], $0x1  }
0xb4: {  	[sflag:s29] =	ssyncadd.s32 $0xFFFFFFFF  }
0xb5: {  	_ =	strace $0x90000048  }
0xb6: {  	_ =	sfence  }
0xb7: {  	s30 =	sld [smem:$0x0];
	_ =	sdelay $0x2  }
0xb8: {  	s31 =	sshll.u32 s1, $0xD;
	s1 =	sshrl.u32 s1, $0x2  }
0xb9: {  	s3 =	sand.u32 $0x4000, s31;
	s1 =	sadd.s32 s1, s30  }
0xba: {  	s0 =	sor.u32 s3, s0;
	s1 =	sshll.u32 s1, $0x11  }
0xbb: {  	s0 =	sor.u32 s1, s0  }
0xbc: {  	s0 =	sadd.s32 $0x8F2B, s0  }
0xbd: {  	[sflag:s0] =	ssyncadd.remote.s32 $0x1  }
0xbe: {  	_ =	sfence.sel $0xFFFF  }
0xbf: {  	[dreg:$0x0] =	wrdreg $0xFFFFFFFF;
	(pc) =	sbr.abs _section_cstart, $3  }
0xc0: {  	[dreg:$0x1] =	wrdreg $0xFFFFFFFF  }
0xc1: {  	_ =	task.clear_ibuf [dreg:s7], $0x2FFFF;
	_ =	strace $0x9FFFFFFF  }
0xc2: {  	(tm) =	ssettm $0x7FFFFFFF  }
0xc3: {  	_ =	shalt  }
tec
execute0_lowered:
.L_overlay_start_1:
0x0: {  	(tag) =	ssettag $0x1  }
0x1: {  	s1 =	srdreg.scid;
	s4 =	rddreg [dreg:$0x0]  }
0x2: {  	s0 =	stileid.u32;
	s5 =	rddreg [dreg:$0x1];
	s2 =	simm.s32 $0x0  }
0x3: {  	s11 =	simm.s32 $0xC800;
	s3 =	sand.u32 $0x1, s1;
	s25 =	sshll.u32 s0, $0x1  }
0x4: {  	s12 =	simm.s32 $0x2;
	s1 =	rddreg [dreg:$0x2];
	s13 =	sor.u32 s3, s25  }
0x5: {  	s14 =	simm.s32 $0x0;
	[smem:$0x7FF] =	sst s2;
	s6 =	smul.u32 $0x1880, s13  }
0x6: {  	_ =	strace $0x80000047;
	s3 =	ssub.s32 $0x2, s3;
	s7 =	smul.u32 $0x6400, s13  }
0x7: {  	s8 =	smin.u32 s13, $0x1C;
	s26 =	sshrl.u32 s3, $0x1;
	s28 =	smul.u32 $0xC80, s13  }
0x8: {  	p0 =	sgt.u32 s13, $0x1C;
	s13 =	simm.s32 $0x3;
	s8 =	smul.u32 $0x6400, s8  }
.Ltmp0:
0x9: {  	s10 =	ssub.s32 s3, s26;
	s9 =	sadd.s32 s6, s5;
	(pc) =	sbr.rel .LBB2_1-.Ltmp0, $4  }
0xa: {  	s29 =	sshrl.u32 s7, $0x3;
	s3 =	sadd.s32 s4, s28;
	s30 =	sshrl.u32 s8, $0x3  }
0xb: {  	s5 =	sadd.s32 s4, s29;
	s7 =	sadd.s32 $0xC00, s9;
	s8 =	smax.u32 s10, $0x1  }
0xc: {  	s9 =	simm.s32 $0x1;
	s10 =	simm.s32 $0x6400;
	s31 =	sadd.s32 s4, s30  }
0xd: {  	v0 =	vimm.f32 $0.0e+00;
	v1 =	vimm.f32 $1.000000000e+00;
	s4 =	sadd.s32 $0x19000, s5;
	s5 =	sadd.s32 $0x32000, s5;
	s6 =	sadd.s32 $0x4B000, s31  }
.LBB2_12:
0xe: {  	_ =	sdelay $0x3  }
0xf: {  	[tilespmem:v2+s11+$0x0] =	vst.idx.add.f32.msk $0xffff, v1  }
.LBB2_13:
0x10: {  	s14 =	sadd.s32 $0x1, s14  }
0x11: {  	p1 =	sne.s32 s14, s8  }
.Ltmp1:
0x12: {  	_ = 	snop;
	(pc) =	sbr.rel @!p1 .LBB2_14-.Ltmp1, $4  }
0x13: {  	[hbm4b:s7+s2] =	stream.linear.scatter [tilespmem:s11], [sflag:$0x3], $0xC400, $0x38;
	[tilespmem:$0x18C00] =	vst v63  }
0x14: {  	_ =	swait.ge [sflag:s13], $0xC400  }
0x15: {  	[sflag:s13] =	ssyncset.done $0x0  }
0x16: {  	[sflag:s13] =	ssyncadd.s32 $0xFFFF3C00  }
.LBB2_1:
0x17: {  	[tilespmem:s2], [sflag:$0x1] =	stream.linear.gather [hbm4b:s3+s2], $0x6400, $0x38;
	[tilespmem:$0x18C00] =	vst v63  }
0x18: {  	s15 =	simm.s32 $0xC820  }
0x19: {  	[tilespmem:s15+$0xFFFFFFE0] =	vst v0  }
0x1a: {  	[tilespmem:s15+$0x10] =	vst v0  }
0x1b: {  	s16 =	simm.s32 $0x0;
	[tilespmem:s15+$0x0] =	vst v0  }
.LBB2_2:
0x1c: {  	s16 =	sadd.s32 $0x40, s16  }
0x1d: {  	[tilespmem:s15+$0xFFFFFFF0] =	vst v0;
	s15 =	sadd.s32 $0x40, s15;
	p1 =	slt.u32 s16, $0xC3C0  }
.Ltmp2:
0x1e: {  	[tilespmem:s15+$0xFFFFFFE0] =	vst v0;
	(pc) =	sbr.rel @p1 .LBB2_2-.Ltmp2, $3  }
0x1f: {  	_ =	sdelay $0x1  }
0x20: {  	[tilespmem:s15+$0x10] =	vst v0  }
0x21: {  	[tilespmem:s15+$0x0] =	vst v0  }
0x22: {  	[tilespmem:s15+$0xFFFFFFF0] =	vst v0  }
0x23: {  	_ =	swait.ge [sflag:s9], $0x6400  }
0x24: {  	[sflag:s9] =	ssyncset.done $0x0  }
0x25: {  	s15 =	simm.s32 $0xF0;
	[sflag:s9] =	ssyncadd.s32 $0xFFFF9C00  }
0x26: {  	[tilespmem:s10], [sflag:$0x2] =	stream.linear.gather [hbm4b:s4+s2], $0x6400, $0x38;
	[tilespmem:$0x18C00] =	vst v63  }
0x27: {  	v3 =	vld [tilespmem:s15+$0xFFFFFF90]  }
0x28: {  	v4 =	vld [tilespmem:s15+$0x0]  }
0x29: {  	v5 =	vld [tilespmem:s15+$0xFFFFFFF0]  }
0x2a: {  	v6 =	vld [tilespmem:s15+$0xFFFFFFE0]  }
0x2b: {  	v7 =	vld [tilespmem:s15+$0xFFFFFFD0]  }
0x2c: {  	v8 =	vld [tilespmem:s15+$0xFFFFFFC0]  }
0x2d: {  	v9 =	vld [tilespmem:s15+$0xFFFFFFB0]  }
0x2e: {  	v2 =	vld [tilespmem:s15+$0xFFFFFFA0]  }
0x2f: {  	[tilespmem:v3+s11+$0x0] =	vst.idx.add.f32.msk $0xffff, v1  }
0x30: {  	[tilespmem:v4+s11+$0x0] =	vst.idx.add.f32.msk $0xffff, v1  }
0x31: {  	[tilespmem:v5+s11+$0x0] =	vst.idx.add.f32.msk $0xffff, v1  }
0x32: {  	[tilespmem:v6+s11+$0x0] =	vst.idx.add.f32.msk $0xffff, v1  }
0x33: {  	[tilespmem:v7+s11+$0x0] =	vst.idx.add.f32.msk $0xffff, v1  }
0x34: {  	[tilespmem:v8+s11+$0x0] =	vst.idx.add.f32.msk $0xffff, v1  }
0x35: {  	s16 =	simm.s32 $0x0;
	[tilespmem:v9+s11+$0x0] =	vst.idx.add.f32.msk $0xffff, v1  }
.LBB2_4:
0x36: {  	s16 =	sadd.s32 $0x80, s16;
	[tilespmem:v2+s11+$0x0] =	vst.idx.add.f32.msk $0xffff, v1;
	s15 =	sadd.s32 $0x100, s15  }
0x37: {  	v3 =	vld [tilespmem:s15+$0xFFFFFF90];
	p1 =	slt.u32 s16, $0x3180  }
0x38: {  	v4 =	vld [tilespmem:s15+$0x0]  }
0x39: {  	v5 =	vld [tilespmem:s15+$0xFFFFFFF0]  }
0x3a: {  	v6 =	vld [tilespmem:s15+$0xFFFFFFE0]  }
0x3b: {  	v7 =	vld [tilespmem:s15+$0xFFFFFFD0]  }
0x3c: {  	v8 =	vld [tilespmem:s15+$0xFFFFFFC0]  }
0x3d: {  	v9 =	vld [tilespmem:s15+$0xFFFFFFB0]  }
0x3e: {  	v2 =	vld [tilespmem:s15+$0xFFFFFFA0]  }
0x3f: {  	[tilespmem:v3+s11+$0x0] =	vst.idx.add.f32.msk $0xffff, v1  }
0x40: {  	[tilespmem:v4+s11+$0x0] =	vst.idx.add.f32.msk $0xffff, v1  }
.Ltmp3:
0x41: {  	[tilespmem:v5+s11+$0x0] =	vst.idx.add.f32.msk $0xffff, v1;
	(pc) =	sbr.rel @p1 .LBB2_4-.Ltmp3, $4  }
0x42: {  	[tilespmem:v6+s11+$0x0] =	vst.idx.add.f32.msk $0xffff, v1  }
0x43: {  	[tilespmem:v7+s11+$0x0] =	vst.idx.add.f32.msk $0xffff, v1  }
0x44: {  	[tilespmem:v8+s11+$0x0] =	vst.idx.add.f32.msk $0xffff, v1  }
0x45: {  	[tilespmem:v9+s11+$0x0] =	vst.idx.add.f32.msk $0xffff, v1  }
0x46: {  	_ =	sdelay $0x3  }
0x47: {  	[tilespmem:v2+s11+$0x0] =	vst.idx.add.f32.msk $0xffff, v1  }
0x48: {  	_ =	swait.ge [sflag:s12], $0x6400  }
0x49: {  	[sflag:s12] =	ssyncset.done $0x0  }
0x4a: {  	s15 =	simm.s32 $0x64F0;
	[sflag:s12] =	ssyncadd.s32 $0xFFFF9C00  }
0x4b: {  	[tilespmem:s2], [sflag:$0x1] =	stream.linear.gather [hbm4b:s5+s2], $0x6400, $0x38;
	[tilespmem:$0x18C00] =	vst v63  }
0x4c: {  	v3 =	vld [tilespmem:s15+$0xFFFFFF90]  }
0x4d: {  	v4 =	vld [tilespmem:s15+$0x0]  }
0x4e: {  	v5 =	vld [tilespmem:s15+$0xFFFFFFF0]  }
0x4f: {  	v6 =	vld [tilespmem:s15+$0xFFFFFFE0]  }
0x50: {  	v7 =	vld [tilespmem:s15+$0xFFFFFFD0]  }
0x51: {  	v8 =	vld [tilespmem:s15+$0xFFFFFFC0]  }
0x52: {  	v9 =	vld [tilespmem:s15+$0xFFFFFFB0]  }
0x53: {  	v2 =	vld [tilespmem:s15+$0xFFFFFFA0]  }
0x54: {  	[tilespmem:v3+s11+$0x0] =	vst.idx.add.f32.msk $0xffff, v1  }
0x55: {  	[tilespmem:v4+s11+$0x0] =	vst.idx.add.f32.msk $0xffff, v1  }
0x56: {  	[tilespmem:v5+s11+$0x0] =	vst.idx.add.f32.msk $0xffff, v1  }
0x57: {  	[tilespmem:v6+s11+$0x0] =	vst.idx.add.f32.msk $0xffff, v1  }
0x58: {  	[tilespmem:v7+s11+$0x0] =	vst.idx.add.f32.msk $0xffff, v1  }
0x59: {  	[tilespmem:v8+s11+$0x0] =	vst.idx.add.f32.msk $0xffff, v1  }
0x5a: {  	s16 =	simm.s32 $0x0;
	[tilespmem:v9+s11+$0x0] =	vst.idx.add.f32.msk $0xffff, v1  }
.LBB2_6:
0x5b: {  	s16 =	sadd.s32 $0x80, s16;
	[tilespmem:v2+s11+$0x0] =	vst.idx.add.f32.msk $0xffff, v1;
	s15 =	sadd.s32 $0x100, s15  }
0x5c: {  	v3 =	vld [tilespmem:s15+$0xFFFFFF90];
	p1 =	slt.u32 s16, $0x3180  }
0x5d: {  	v4 =	vld [tilespmem:s15+$0x0]  }
0x5e: {  	v5 =	vld [tilespmem:s15+$0xFFFFFFF0]  }
0x5f: {  	v6 =	vld [tilespmem:s15+$0xFFFFFFE0]  }
0x60: {  	v7 =	vld [tilespmem:s15+$0xFFFFFFD0]  }
0x61: {  	v8 =	vld [tilespmem:s15+$0xFFFFFFC0]  }
0x62: {  	v9 =	vld [tilespmem:s15+$0xFFFFFFB0]  }
0x63: {  	v2 =	vld [tilespmem:s15+$0xFFFFFFA0]  }
0x64: {  	[tilespmem:v3+s11+$0x0] =	vst.idx.add.f32.msk $0xffff, v1  }
0x65: {  	[tilespmem:v4+s11+$0x0] =	vst.idx.add.f32.msk $0xffff, v1  }
.Ltmp4:
0x66: {  	[tilespmem:v5+s11+$0x0] =	vst.idx.add.f32.msk $0xffff, v1;
	(pc) =	sbr.rel @p1 .LBB2_6-.Ltmp4, $4  }
0x67: {  	[tilespmem:v6+s11+$0x0] =	vst.idx.add.f32.msk $0xffff, v1  }
0x68: {  	[tilespmem:v7+s11+$0x0] =	vst.idx.add.f32.msk $0xffff, v1  }
0x69: {  	[tilespmem:v8+s11+$0x0] =	vst.idx.add.f32.msk $0xffff, v1  }
0x6a: {  	[tilespmem:v9+s11+$0x0] =	vst.idx.add.f32.msk $0xffff, v1  }
0x6b: {  	_ =	sdelay $0x3  }
0x6c: {  	[tilespmem:v2+s11+$0x0] =	vst.idx.add.f32.msk $0xffff, v1  }
0x6d: {  	_ =	swait.ge [sflag:s9], $0x6400  }
0x6e: {  	[sflag:s9] =	ssyncset.done $0x0  }
0x6f: {  	s15 =	simm.s32 $0xF0;
	[sflag:s9] =	ssyncadd.s32 $0xFFFF9C00  }
0x70: {  	[tilespmem:s10], [sflag:$0x2] =	stream.linear.gather [hbm4b:s6+s2], $0x6400, $0x38;
	[tilespmem:$0x18C00] =	vst v63  }
0x71: {  	v3 =	vld [tilespmem:s15+$0xFFFFFF90]  }
0x72: {  	v4 =	vld [tilespmem:s15+$0x0]  }
0x73: {  	v5 =	vld [tilespmem:s15+$0xFFFFFFF0]  }
0x74: {  	v6 =	vld [tilespmem:s15+$0xFFFFFFE0]  }
0x75: {  	v7 =	vld [tilespmem:s15+$0xFFFFFFD0]  }
0x76: {  	v8 =	vld [tilespmem:s15+$0xFFFFFFC0]  }
0x77: {  	v9 =	vld [tilespmem:s15+$0xFFFFFFB0]  }
0x78: {  	v2 =	vld [tilespmem:s15+$0xFFFFFFA0]  }
0x79: {  	[tilespmem:v3+s11+$0x0] =	vst.idx.add.f32.msk $0xffff, v1  }
0x7a: {  	[tilespmem:v4+s11+$0x0] =	vst.idx.add.f32.msk $0xffff, v1  }
0x7b: {  	[tilespmem:v5+s11+$0x0] =	vst.idx.add.f32.msk $0xffff, v1  }
0x7c: {  	[tilespmem:v6+s11+$0x0] =	vst.idx.add.f32.msk $0xffff, v1  }
0x7d: {  	[tilespmem:v7+s11+$0x0] =	vst.idx.add.f32.msk $0xffff, v1  }
0x7e: {  	[tilespmem:v8+s11+$0x0] =	vst.idx.add.f32.msk $0xffff, v1  }
0x7f: {  	s16 =	simm.s32 $0x0;
	[tilespmem:v9+s11+$0x0] =	vst.idx.add.f32.msk $0xffff, v1  }
.LBB2_8:
0x80: {  	s16 =	sadd.s32 $0x80, s16;
	[tilespmem:v2+s11+$0x0] =	vst.idx.add.f32.msk $0xffff, v1;
	s15 =	sadd.s32 $0x100, s15  }
0x81: {  	v3 =	vld [tilespmem:s15+$0xFFFFFF90];
	p1 =	slt.u32 s16, $0x3180  }
0x82: {  	v4 =	vld [tilespmem:s15+$0x0]  }
0x83: {  	v5 =	vld [tilespmem:s15+$0xFFFFFFF0]  }
0x84: {  	v6 =	vld [tilespmem:s15+$0xFFFFFFE0]  }
0x85: {  	v7 =	vld [tilespmem:s15+$0xFFFFFFD0]  }
0x86: {  	v8 =	vld [tilespmem:s15+$0xFFFFFFC0]  }
0x87: {  	v9 =	vld [tilespmem:s15+$0xFFFFFFB0]  }
0x88: {  	v2 =	vld [tilespmem:s15+$0xFFFFFFA0]  }
0x89: {  	[tilespmem:v3+s11+$0x0] =	vst.idx.add.f32.msk $0xffff, v1  }
0x8a: {  	[tilespmem:v4+s11+$0x0] =	vst.idx.add.f32.msk $0xffff, v1  }
.Ltmp5:
0x8b: {  	[tilespmem:v5+s11+$0x0] =	vst.idx.add.f32.msk $0xffff, v1;
	(pc) =	sbr.rel @p1 .LBB2_8-.Ltmp5, $4  }
0x8c: {  	[tilespmem:v6+s11+$0x0] =	vst.idx.add.f32.msk $0xffff, v1  }
0x8d: {  	[tilespmem:v7+s11+$0x0] =	vst.idx.add.f32.msk $0xffff, v1  }
0x8e: {  	[tilespmem:v8+s11+$0x0] =	vst.idx.add.f32.msk $0xffff, v1  }
0x8f: {  	[tilespmem:v9+s11+$0x0] =	vst.idx.add.f32.msk $0xffff, v1  }
0x90: {  	_ =	sdelay $0x2  }
.Ltmp6:
0x91: {  	_ = 	snop;
	(pc) =	sbr.rel @p0 .LBB2_13-.Ltmp6, $4  }
0x92: {  	[tilespmem:v2+s11+$0x0] =	vst.idx.add.f32.msk $0xffff, v1  }
0x93: {  	_ =	swait.ge [sflag:s12], $0x6400  }
0x94: {  	[sflag:s12] =	ssyncset.done $0x0  }
0x95: {  	[sflag:s12] =	ssyncadd.s32 $0xFFFF9C00  }
0x96: {  	s15 =	simm.s32 $0x64F0  }
0x97: {  	v3 =	vld [tilespmem:s15+$0xFFFFFF90]  }
0x98: {  	v4 =	vld [tilespmem:s15+$0x0]  }
0x99: {  	v5 =	vld [tilespmem:s15+$0xFFFFFFF0]  }
0x9a: {  	v6 =	vld [tilespmem:s15+$0xFFFFFFE0]  }
0x9b: {  	v7 =	vld [tilespmem:s15+$0xFFFFFFD0]  }
0x9c: {  	v8 =	vld [tilespmem:s15+$0xFFFFFFC0]  }
0x9d: {  	v9 =	vld [tilespmem:s15+$0xFFFFFFB0]  }
0x9e: {  	v2 =	vld [tilespmem:s15+$0xFFFFFFA0]  }
0x9f: {  	[tilespmem:v3+s11+$0x0] =	vst.idx.add.f32.msk $0xffff, v1  }
0xa0: {  	[tilespmem:v4+s11+$0x0] =	vst.idx.add.f32.msk $0xffff, v1  }
0xa1: {  	[tilespmem:v5+s11+$0x0] =	vst.idx.add.f32.msk $0xffff, v1  }
0xa2: {  	[tilespmem:v6+s11+$0x0] =	vst.idx.add.f32.msk $0xffff, v1  }
0xa3: {  	[tilespmem:v7+s11+$0x0] =	vst.idx.add.f32.msk $0xffff, v1  }
0xa4: {  	[tilespmem:v8+s11+$0x0] =	vst.idx.add.f32.msk $0xffff, v1  }
0xa5: {  	s16 =	simm.s32 $0x0;
	[tilespmem:v9+s11+$0x0] =	vst.idx.add.f32.msk $0xffff, v1  }
.LBB2_11:
0xa6: {  	s16 =	sadd.s32 $0x80, s16;
	[tilespmem:v2+s11+$0x0] =	vst.idx.add.f32.msk $0xffff, v1;
	s15 =	sadd.s32 $0x100, s15  }
0xa7: {  	v3 =	vld [tilespmem:s15+$0xFFFFFF90];
	p1 =	slt.u32 s16, $0x3180  }
0xa8: {  	v4 =	vld [tilespmem:s15+$0x0]  }
0xa9: {  	v5 =	vld [tilespmem:s15+$0xFFFFFFF0]  }
0xaa: {  	v6 =	vld [tilespmem:s15+$0xFFFFFFE0]  }
0xab: {  	v7 =	vld [tilespmem:s15+$0xFFFFFFD0]  }
0xac: {  	v8 =	vld [tilespmem:s15+$0xFFFFFFC0]  }
0xad: {  	v9 =	vld [tilespmem:s15+$0xFFFFFFB0]  }
0xae: {  	v2 =	vld [tilespmem:s15+$0xFFFFFFA0]  }
0xaf: {  	[tilespmem:v3+s11+$0x0] =	vst.idx.add.f32.msk $0xffff, v1  }
0xb0: {  	[tilespmem:v4+s11+$0x0] =	vst.idx.add.f32.msk $0xffff, v1  }
.Ltmp7:
0xb1: {  	[tilespmem:v5+s11+$0x0] =	vst.idx.add.f32.msk $0xffff, v1;
	(pc) =	sbr.rel @p1 .LBB2_11-.Ltmp7, $4  }
0xb2: {  	[tilespmem:v6+s11+$0x0] =	vst.idx.add.f32.msk $0xffff, v1  }
0xb3: {  	[tilespmem:v7+s11+$0x0] =	vst.idx.add.f32.msk $0xffff, v1  }
0xb4: {  	[tilespmem:v8+s11+$0x0] =	vst.idx.add.f32.msk $0xffff, v1  }
0xb5: {  	[tilespmem:v9+s11+$0x0] =	vst.idx.add.f32.msk $0xffff, v1  }
.Ltmp8:
0xb6: {  	_ = 	snop;
	(pc) =	sbr.rel .LBB2_12-.Ltmp8, $1  }
0xb7: {  	_ =	sdelay $0x3  }
.LBB2_14:
0xb8: {  	_ =	sfence.sel $0x180000  }
0xb9: {  	[bflag:$0x0] =	sbarrier.arrive $0xFFFF  }
0xba: {  	p0 =	sne.s32 s0, $0x0;
	_ =	strace $0x90000047  }
0xbb: {  	s0 =	sadd.s32 @!p0 $0x100000, s1;
	[bflag:$0x2] =	sbarrier.arrive $0xFFFF  }
0xbc: {  	[sflag:s0] =	ssyncadd.tile.s32 @!p0 $0x1;
	_ =	shalt  }
.Lfunc_end2:
_tile_overlayer_lowered:
.L_overlay_start_2:
0xbd: {  	(tag) =	ssettag $0x2  }
0xbe: {  	s0 =	rddreg [dreg:$0x0];
	s2 =	stileid.u32  }
0xbf: {  	s1 =	rddreg [dreg:$0x1];
	p0 =	sne.s32 s2, $0x0  }
0xc0: {  	s3 =	rddreg [dreg:$0x2];
	[bflag:$0x3] =	sbarrier.arrive $0xFFFF;
	s2 =	simm.s32 @!p0 $0x1C03  }
0xc1: {  	[timem:s3], [sflag:s2] =	dma.local @!p0 [hbm:s0], s1  }
0xc2: {  	s0 =	simm.s32 @!p0 $0x3  }
0xc3: {  	_ =	swait.ge @!p0 [sflag:s0], s1  }
0xc4: {  	s1 =	ssub.s32 @!p0 $0x0, s1;
	[sflag:s0] =	ssyncset.done @!p0 $0x0  }
0xc5: {  	[sflag:s0] =	ssyncadd.s32 @!p0 s1  }
0xc6: {  	[bflag:$0x3] =	sbarrier.arrive $0xFFFF  }
0xc7: {  	_ =	shalt  }

// kernel: kernel.8.cloned.1.call-start
scs
__scs_entry_jumppad:
0x0: {  	(pc) =	sbr.rel $0x88, $3  }
0x1: {  	(tag) =	ssettag $0x0;
	lr =	simm.s32 $0x1  }
0x2: {  	[smem:$0x3FA0] =	sst lr;
	_ =	strace $0xD0000000  }
0x3: {  	_ = 	snop  }
0x4: {  	_ = 	snop  }
0x5: {  	_ = 	snop  }
0x6: {  	_ = 	snop  }
0x7: {  	_ = 	snop  }
__scs_overlays_trampoline_lowered:
0x8: {  	[smem:$0x3FAF] =	sst s0  }
0x9: {  	[smem:$0x3FB0] =	sst s1  }
0xa: {  	[smem:$0x3FB1] =	sst s2  }
0xb: {  	[smem:$0x3FB2] =	sst s3  }
0xc: {  	[smem:$0x3FB3] =	sst s4  }
0xd: {  	[smem:$0x3FB4] =	sst s5  }
0xe: {  	[smem:$0x3FB5] =	sst s6  }
0xf: {  	[smem:$0x3FB6] =	sst s7  }
0x10: {  	[smem:$0x3FB7] =	sst s8  }
0x11: {  	[smem:$0x3FB8] =	sst s9;
	s0 =	simm.s32 @!p0 $0x0  }
0x12: {  	s1 =	sld [smem:$0x3F9E];
	s0 =	simm.s32 @p0 $0x1  }
0x13: {  	[smem:$0x3FB9] =	sst s0;
	s0 =	simm.s32 @!p1 $0x0  }
0x14: {  	s2 =	sld [smem:$0x3F9D];
	s0 =	simm.s32 @p1 $0x1  }
0x15: {  	[smem:$0x3FBA] =	sst s0;
	s0 =	simm.s32 @!p2 $0x0  }
0x16: {  	s3 =	sld [smem:$0x3FDB];
	s0 =	simm.s32 @p2 $0x1  }
0x17: {  	s4 =	simm.s32 $0x1BF5;
	[smem:$0x3FBC] =	sst s0  }
0x18: {  	s0 =	sld [smem:$0x3F9F];
	_ =	swait.ge [sflag:s4], $0x0  }
0x19: {  	s7 =	sld [smem:$0x3FA0]  }
0x1a: {  	s8 =	sadd.s32 $0xFFFFE003, lr  }
0x1b: {  	s9 =	sadd.s32 $0xFFFFFEF7, lr;
	s5 =	simm.s32 $0xFFFFFFFF;
	p2 =	slt.u32 s8, $0xFFFFF086  }
0x1c: {  	p1 =	slt.u32 s9, $0xF7A;
	s5 =	simm.s32 @!p2 $0x0  }
0x1d: {  	s5 =	simm.s32 @p1 $0x1;
	p0 =	seq.s32 s7, s2  }
0x1e: {  	s7 =	smul.u32 @!p0 $0xF7A, s2;
	p2 =	seq.s32 @!p0 s5, $0x0  }
0x1f: {  	s9 =	smul.u32 $0xF7A, s1;
	s8 =	simm.s32 @!p0 $0x1BF5;
	p2 =	por !p2, p0  }
0x20: {  	[sflag:s8] =	ssyncset.s32 @!p0 $0xFFFFF086;
	s6 =	sadd.s32 @!p0 s3, s7;
	s7 =	simm.s32 @!p0 $0x108  }
0x21: {  	s3 =	sadd.s32 s3, s9;
	s6 =	sadd.s32 @!p0 $0x88, s6;
	s7 =	simm.s32 @p2 $0x1082  }
0x22: {  	[simem:s7], [sflag:s8] =	dma.local @!p0 [hbm:s6], $0xF7A  }
0x23: {  	s9 =	sor.u32 $0xD0000000, s2;
	s6 =	simm.s32 $0x108;
	_ =	swait.ge @!p0 [sflag:s8], $0x0  }
0x24: {  	s3 =	sadd.s32 $0x88, s3;
	s6 =	simm.s32 @!p1 $0x1082;
	[sflag:s4] =	ssyncset.s32 $0xFFFFF086  }
0x25: {  	[simem:s6], [sflag:s4] =	dma.local [hbm:s3], $0xF7A  }
0x26: {  	[smem:$0x3FA0] =	sst s1;
	(tag) =	ssettag s2;
	_ =	strace s9  }
0x27: {  	s1 =	sld [smem:$0x3FB0]  }
0x28: {  	s2 =	sld [smem:$0x3FB1]  }
0x29: {  	s4 =	sld [smem:$0x3FB3]  }
0x2a: {  	p0 =	seq.s32 s5, $0x0;
	s5 =	sld [smem:$0x3FB4]  }
0x2b: {  	s6 =	sld [smem:$0x3FB5]  }
0x2c: {  	s7 =	sld [smem:$0x3FB6]  }
0x2d: {  	s3 =	simm.s32 $0x108;
	s8 =	sld [smem:$0x3FB7]  }
0x2e: {  	s3 =	simm.s32 @!p0 $0x1082;
	s9 =	sld [smem:$0x3FB8]  }
0x2f: {  	lr =	sadd.s32 s0, s3;
	s0 =	sld [smem:$0x3FAF]  }
0x30: {  	s3 =	sld [smem:$0x3FB2]  }
0x31: {  	[smem:$0x3FBB] =	sst s10  }
0x32: {  	s10 =	sld [smem:$0x3FB9];
	_ =	sdelay $0x3  }
0x33: {  	p0 =	seq.s32 s10, $0x1;
	s10 =	sld [smem:$0x3FBB];
	_ =	sdelay $0x3  }
0x34: {  	[smem:$0x3FBB] =	sst s10  }
0x35: {  	s10 =	sld [smem:$0x3FBA];
	_ =	sdelay $0x3  }
0x36: {  	p1 =	seq.s32 s10, $0x1;
	s10 =	sld [smem:$0x3FBB];
	_ =	sdelay $0x3  }
0x37: {  	[smem:$0x3FBB] =	sst s10  }
0x38: {  	s10 =	sld [smem:$0x3FBC]  }
0x39: {  	_ = 	snop;
	(pc) =	sbr.ind lr, $3  }
0x3a: {  	_ = 	snop  }
0x3b: {  	_ = 	snop  }
0x3c: {  	p2 =	seq.s32 s10, $0x1;
	s10 =	sld [smem:$0x3FBB]  }
0x3d: {  	_ =	shalt  }
0x3e: {  	_ =	shalt  }
0x3f: {  	_ =	shalt  }
0x40: {  	_ =	shalt  }
0x41: {  	_ =	shalt  }
0x42: {  	_ =	shalt  }
0x43: {  	_ =	shalt  }
0x44: {  	_ =	shalt  }
0x45: {  	_ =	shalt  }
0x46: {  	_ =	shalt  }
0x47: {  	_ =	shalt  }
0x48: {  	_ =	shalt  }
0x49: {  	_ =	shalt  }
0x4a: {  	_ =	shalt  }
0x4b: {  	_ =	shalt  }
0x4c: {  	_ =	shalt  }
0x4d: {  	_ =	shalt  }
0x4e: {  	_ =	shalt  }
0x4f: {  	_ =	shalt  }
0x50: {  	_ =	shalt  }
0x51: {  	_ =	shalt  }
0x52: {  	_ =	shalt  }
0x53: {  	_ =	shalt  }
0x54: {  	_ =	shalt  }
0x55: {  	_ =	shalt  }
0x56: {  	_ =	shalt  }
0x57: {  	_ =	shalt  }
0x58: {  	_ =	shalt  }
0x59: {  	_ =	shalt  }
0x5a: {  	_ =	shalt  }
0x5b: {  	_ =	shalt  }
0x5c: {  	_ =	shalt  }
0x5d: {  	_ =	shalt  }
0x5e: {  	_ =	shalt  }
0x5f: {  	_ =	shalt  }
0x60: {  	_ =	shalt  }
0x61: {  	_ =	shalt  }
0x62: {  	_ =	shalt  }
0x63: {  	_ =	shalt  }
0x64: {  	_ =	shalt  }
0x65: {  	_ =	shalt  }
0x66: {  	_ =	shalt  }
0x67: {  	_ =	shalt  }
0x68: {  	_ =	shalt  }
0x69: {  	_ =	shalt  }
0x6a: {  	_ =	shalt  }
0x6b: {  	_ =	shalt  }
0x6c: {  	_ =	shalt  }
0x6d: {  	_ =	shalt  }
0x6e: {  	_ =	shalt  }
0x6f: {  	_ =	shalt  }
0x70: {  	_ =	shalt  }
0x71: {  	_ =	shalt  }
0x72: {  	_ =	shalt  }
0x73: {  	_ =	shalt  }
0x74: {  	_ =	shalt  }
0x75: {  	_ =	shalt  }
0x76: {  	_ =	shalt  }
0x77: {  	_ =	shalt  }
0x78: {  	_ =	shalt  }
0x79: {  	_ =	shalt  }
0x7a: {  	_ =	shalt  }
0x7b: {  	_ =	shalt  }
0x7c: {  	_ =	shalt  }
0x7d: {  	_ =	shalt  }
0x7e: {  	_ =	shalt  }
0x7f: {  	_ =	shalt  }
0x80: {  	_ =	shalt  }
0x81: {  	_ =	shalt  }
0x82: {  	_ =	shalt  }
0x83: {  	_ =	shalt  }
0x84: {  	_ =	shalt  }
0x85: {  	_ =	shalt  }
0x86: {  	_ =	shalt  }
0x87: {  	_ =	shalt  }
.Lfunc_end0:
.L_simem_size_0:
called_computation.1_lowered:
.L_overlay_start_0:
0x88: {  	s2 =	sld [smem:$0x3FD9]  }
0x89: {  	s3 =	sld [smem:$0x3FFE];
	_ =	sdelay $0x1  }
0x8a: {  	s1 =	srdreg.scid  }
0x8b: {  	s0 =	sand.u32 $0x1, s1  }
0x8c: {  	s17 =	sshll.u32 s0, $0xA;
	s2 =	sadd.s32 s3, s2  }
0x8d: {  	s2 =	sadd.s32 s2, s17  }
0x8e: {  	[smem:$0x3FC7] =	sst s2  }
0x8f: {  	_ = 	snop  }
0x90: {  	s2 =	sld [smem:$0x3FC9]  }
0x91: {  	s18 =	sld [smem:$0x3FD0];
	(tm) =	ssettm $0x1  }
0x92: {  	s4 =	sld [smem:$0x3FFB];
	_ =	sdelay $0x3  }
0x93: {  	_ =	strace s4  }
0x94: {  	s4 =	sld [smem:$0x3FFC];
	_ =	sdelay $0x3  }
0x95: {  	_ =	strace s4  }
0x96: {  	s4 =	sld [smem:$0x3FFD];
	_ =	sdelay $0x3  }
0x97: {  	_ =	strace s4  }
0x98: {  	_ =	strace $0x8FFFFFFF  }
0x99: {  	s19 =	sld [smem:$0x3FDB];
	_ =	sdelay $0x1  }
0x9a: {  	s5 =	simm.s32 $_scs_section_size  }
0x9b: {  	s6 =	simm.s32 $_size__tile_overlayer_lowered;
	s7 =	simm.s32 $_tile_overlayer_lowered  }
0x9c: {  	s22 =	simm.s32 $0x1BFF;
	s21 =	sshll.u32 s7, $0x1;
	s4 =	sadd.s32 s5, s19  }
0x9d: {  	s8 =	simm.s32 $0x0;
	s20 =	sshll.u32 s6, $0x1;
	s6 =	sadd.s32 s21, s4  }
0x9e: {  	[timem:s8], [sflag:s22] =	dma.local [hbm:s6], s20  }
0x9f: {  	_ =	swait.ge [sflag:s22], s20  }
0xa0: {  	s5 =	ssub.s32 $0x0, s20;
	[sflag:s22] =	ssyncset.done $0x0  }
0xa1: {  	[sflag:s22] =	ssyncadd.s32 s5;
	_ =	sdelay $0x1  }
0xa2: {  	s23 =	simm.s32 $0x1B8B  }
0xa3: {  	_ =	swait.ge [sflag:s23], $0x1  }
0xa4: {  	[sflag:s23] =	ssyncset.done $0x0  }
0xa5: {  	s25 =	simm.s32 $0x1B8E;
	s24 =	sld [smem:$0x3FFE];
	[sflag:s23] =	ssyncadd.s32 $0xFFFFFFFF  }
0xa6: {  	s26 =	simm.s32 $execute0_lowered;
	[smem:$0x3FD2] =	sst s25  }
0xa7: {  	s6 =	sshll.u32 s26, $0x1;
	_ =	strace $0x80000049;
	[dreg:$0x1] =	wrdreg $0xFFFFFFFF  }
0xa8: {  	s28 =	simm.s32 $_size_execute0_lowered;
	s4 =	sadd.s32 s4, s6;
	[dreg:$0x0] =	wrdreg $0x0  }
0xa9: {  	s6 =	sshll.u32 s28, $0x1;
	[dreg:$0x2] =	wrdreg s4  }
0xaa: {  	[dreg:$0x3] =	wrdreg s6  }
0xab: {  	[dreg:$0x4] =	wrdreg $0xC0  }
0xac: {  	_ =	task [dreg:s8], $0x5FFFF  }
0xad: {  	[dreg:$0x1] =	wrdreg $0xFFFFFFFF  }
0xae: {  	[dreg:$0x0] =	wrdreg $0x60  }
0xaf: {  	[dreg:$0x2] =	wrdreg s2  }
0xb0: {  	[dreg:$0x3] =	wrdreg s24  }
0xb1: {  	[dreg:$0x4] =	wrdreg s18  }
0xb2: {  	[dreg:$0x5] =	wrdreg $0x9  }
0xb3: {  	_ =	task.clear_ibuf [dreg:s8], $0x6FFFF;
	_ =	strace $0x90000049  }
0xb4: {  	s29 =	simm.s32 $0x9;
	_ =	strace $0x8000004B  }
0xb5: {  	_ =	swait.ge [sflag:s29], $0x1  }
0xb6: {  	[sflag:s29] =	ssyncadd.s32 $0xFFFFFFFF  }
0xb7: {  	_ =	strace $0x9000004B  }
0xb8: {  	_ =	sfence  }
0xb9: {  	s30 =	sld [smem:$0x0];
	_ =	sdelay $0x2  }
0xba: {  	s31 =	sshll.u32 s1, $0xD;
	s1 =	sshrl.u32 s1, $0x2  }
0xbb: {  	s3 =	sand.u32 $0x4000, s31;
	s1 =	sadd.s32 s1, s30  }
0xbc: {  	s0 =	sor.u32 s3, s0;
	s1 =	sshll.u32 s1, $0x11  }
0xbd: {  	s0 =	sor.u32 s1, s0  }
0xbe: {  	s0 =	sadd.s32 $0x8F2B, s0  }
0xbf: {  	[sflag:s0] =	ssyncadd.remote.s32 $0x1  }
0xc0: {  	_ =	sfence.sel $0xFFFF  }
0xc1: {  	[dreg:$0x0] =	wrdreg $0xFFFFFFFF;
	(pc) =	sbr.abs _section_cstart, $3  }
0xc2: {  	[dreg:$0x1] =	wrdreg $0xFFFFFFFF  }
0xc3: {  	_ =	task.clear_ibuf [dreg:s8], $0x2FFFF;
	_ =	strace $0x9FFFFFFF  }
0xc4: {  	(tm) =	ssettm $0x7FFFFFFF  }
0xc5: {  	_ =	shalt  }
tec
execute0_lowered:
.L_overlay_start_1:
0x0: {  	(tag) =	ssettag $0x1  }
0x1: {  	s11 =	rddreg [dreg:$0x0]  }
0x2: {  	s3 =	rddreg [dreg:$0x1]  }
0x3: {  	s13 =	rddreg [dreg:$0x2]  }
0x4: {  	s0 =	rddreg [dreg:$0x3]  }
0x5: {  	s2 =	simm.s32 $0x0;
	s4 =	srdreg.scid;
	s1 =	stileid.u32  }
0x6: {  	s17 =	simm.s32 $0xC400;
	s18 =	simm.s32 $0x1;
	s19 =	simm.s32 $0x2  }
0x7: {  	s20 =	simm.s32 $0x12800;
	s21 =	simm.s32 $0x18C00;
	s22 =	simm.s32 $0x1A500  }
0x8: {  	s23 =	simm.s32 $0x3;
	s4 =	sand.u32 $0x1, s4;
	s5 =	sshll.u32 s1, $0x1  }
0x9: {  	s24 =	simm.s32 $0x4;
	s28 =	simm.s32 $0x0;
	s25 =	sor.u32 s4, s5  }
0xa: {  	[smem:$0x7FF] =	sst s2;
	s3 =	sadd.s32 $0xC00, s3;
	s5 =	smul.u32 $0xC80, s25  }
0xb: {  	s4 =	ssub.s32 $0x2, s4;
	s6 =	sor.u32 $0x20, s25;
	s26 =	smul.u32 $0x3200, s25  }
0xc: {  	_ =	strace $0x8000004A;
	s7 =	sshrl.u32 s4, $0x1;
	s8 =	smul.u32 $0xC80, s6  }
0xd: {  	s29 =	sor.u32 $0x40, s25;
	s31 =	smin.u32 s25, $0x1C;
	s9 =	smul.u32 $0x3200, s6  }
0xe: {  	p0 =	sgt.u32 s25, $0x1C;
	s12 =	smul.u32 $0x3200, s29;
	s10 =	sor.u32 $0x60, s31  }
0xf: {  	s25 =	simm.s32 $0x5;
	s16 =	ssub.s32 s4, s7;
	s14 =	smul.u32 $0x3200, s10  }
0x10: {  	s4 =	sadd.s32 s11, s5;
	s30 =	sshrl.u32 s26, $0x3;
	s15 =	smul.u32 $0xC80, s10  }
0x11: {  	s16 =	smax.u32 s16, $0x1;
	s5 =	sadd.s32 s11, s8;
	s8 =	smul.u32 $0xC80, s29  }
.Ltmp0:
0x12: {  	s26 =	simm.s32 $0x6;
	s6 =	sadd.s32 s13, s30;
	(pc) =	sbr.rel .LBB2_1-.Ltmp0, $4  }
0x13: {  	s9 =	sshrl.u32 s9, $0x3;
	s12 =	sshrl.u32 s12, $0x3;
	s7 =	sadd.s32 $0x320, s6  }
0x14: {  	s9 =	sadd.s32 s13, s9;
	s14 =	sshrl.u32 s14, $0x3;
	s12 =	sadd.s32 s13, s12  }
0x15: {  	s8 =	sadd.s32 s11, s8;
	s10 =	sadd.s32 $0x320, s9;
	s13 =	sadd.s32 s13, s14  }
0x16: {  	s11 =	sadd.s32 s11, s15;
	s14 =	sadd.s32 $0x320, s12;
	s15 =	sadd.s32 $0x320, s13  }
.LBB2_18:
0x17: {  	[tilespmem:s29+$0xFFFFFFF0] =	vst v7;
	v0 =	vmul.f32 v2, v0  }
0x18: {  	[tilespmem:s29+$0xFFFFFFC0] =	vst v6;
	v1 =	vmul.f32 v4, v1  }
0x19: {  	v63 =	vmul.f32 v5, v3;
	[tilespmem:s29+$0x0] =	vst v0  }
0x1a: {  	[tilespmem:s29+$0x10] =	vst v1  }
0x1b: {  	[tilespmem:s29+$0x20] =	vst v63  }
0x1c: {  	[hbm4b:s15+s2] =	stream.linear.scatter [tilespmem:s22], [sflag:$0x6], $0x1900, $0x38;
	[tilespmem:$0x1BE00] =	vst v63  }
0x1d: {  	_ =	swait.ge [sflag:s26], $0x1900  }
0x1e: {  	[sflag:s26] =	ssyncset.done $0x0  }
0x1f: {  	[sflag:s26] =	ssyncadd.s32 $0xFFFFE700  }
.LBB2_19:
0x20: {  	s28 =	sadd.s32 $0x1, s28  }
0x21: {  	p1 =	sne.s32 s28, s16  }
.Ltmp1:
0x22: {  	_ = 	snop;
	(pc) =	sbr.rel @!p1 .LBB2_20-.Ltmp1, $1  }
0x23: {  	_ =	sdelay $0x3  }
.LBB2_1:
0x24: {  	[tilespmem:s17], [sflag:$0x2] =	stream.linear.gather [hbm4b:s4+s2], $0x6400, $0x38;
	[tilespmem:$0x1BE00] =	vst v63  }
0x25: {  	_ = 	snop  }
0x26: {  	[tilespmem:s2], [sflag:$0x1] =	stream.linear.gather [hbm4b:s3+s2], $0xC400, $0x38;
	[tilespmem:$0x1BE00] =	vst v63  }
0x27: {  	_ =	swait.ge [sflag:s18], $0xC400  }
0x28: {  	[sflag:s18] =	ssyncset.done $0x0  }
0x29: {  	[sflag:s18] =	ssyncadd.s32 $0xFFFF3C00  }
0x2a: {  	_ =	swait.ge [sflag:s19], $0x6400  }
0x2b: {  	[sflag:s19] =	ssyncset.done $0x0  }
0x2c: {  	s29 =	simm.s32 $0xC480;
	[sflag:s19] =	ssyncadd.s32 $0xFFFF9C00  }
0x2d: {  	[tilespmem:s20], [sflag:$0x3] =	stream.linear.gather [hbm4b:s5+s2], $0x6400, $0x38;
	[tilespmem:$0x1BE00] =	vst v63  }
0x2e: {  	v0 =	vld [tilespmem:s29+$0xFFFFFFF0]  }
0x2f: {  	v1 =	vld [tilespmem:s29+$0x70]  }
0x30: {  	v2 =	vld [tilespmem:s29+$0x0]  }
0x31: {  	v3 =	vld [tilespmem:s29+$0xFFFFFF90]  }
0x32: {  	v4 =	vld [tilespmem:s29+$0x10]  }
0x33: {  	v5 =	vld [tilespmem:s29+$0xFFFFFFA0]  }
0x34: {  	v6 =	vld [tilespmem:s29+$0x20]  }
0x35: {  	v7 =	vld [tilespmem:s29+$0xFFFFFFB0]  }
0x36: {  	v9 =	vld [tilespmem:s29+$0xFFFFFFC0]  }
0x37: {  	v10 =	vld [tilespmem:s29+$0x40]  }
0x38: {  	v11 =	vld [tilespmem:s29+$0xFFFFFFD0]  }
0x39: {  	v12 =	vld [tilespmem:s29+$0x50]  }
0x3a: {  	v13 =	vld [tilespmem:s29+$0xFFFFFFE0]  }
0x3b: {  	v14 =	vld [tilespmem:s29+$0x60]  }
0x3c: {  	v15 =	vld [tilespmem:s29+$0xFFFFFF80]  }
0x3d: {  	v8 =	vld.idx.msk [tilespmem:v0+s2+$0x0], $0xffff  }
0x3e: {  	v1 =	vld.idx.msk [tilespmem:v1+s2+$0x0], $0xffff  }
0x3f: {  	v0 =	vld [tilespmem:s29+$0x30]  }
0x40: {  	v16 =	vld.idx.msk [tilespmem:v2+s2+$0x0], $0xffff  }
0x41: {  	v3 =	vld.idx.msk [tilespmem:v3+s2+$0x0], $0xffff  }
0x42: {  	v4 =	vld.idx.msk [tilespmem:v4+s2+$0x0], $0xffff  }
0x43: {  	v5 =	vld.idx.msk [tilespmem:v5+s2+$0x0], $0xffff  }
0x44: {  	v6 =	vld.idx.msk [tilespmem:v6+s2+$0x0], $0xffff  }
0x45: {  	v7 =	vld.idx.msk [tilespmem:v7+s2+$0x0], $0xffff  }
0x46: {  	v15 =	vld.idx.msk [tilespmem:v15+s2+$0x0], $0xffff  }
0x47: {  	v17 =	vld.idx.msk [tilespmem:v0+s2+$0x0], $0xffff  }
0x48: {  	v2 =	vld.idx.msk [tilespmem:v10+s2+$0x0], $0xffff  }
0x49: {  	v8 =	vmul.f32 v1, v8;
	v1 =	vld.idx.msk [tilespmem:v11+s2+$0x0], $0xffff  }
0x4a: {  	s29 =	simm.s32 $0x18C40;
	v3 =	vmul.f32 v4, v3;
	v0 =	vld.idx.msk [tilespmem:v9+s2+$0x0], $0xffff  }
0x4b: {  	v5 =	vmul.f32 v6, v5;
	v4 =	vld.idx.msk [tilespmem:v12+s2+$0x0], $0xffff;
	[tilespmem:s29+$0x30] =	vst v8  }
0x4c: {  	[tilespmem:s29+$0xFFFFFFD0] =	vst v3;
	v3 =	vld.idx.msk [tilespmem:v13+s2+$0x0], $0xffff;
	v7 =	vmul.f32 v17, v7  }
0x4d: {  	s30 =	simm.s32 $0x0;
	s31 =	simm.s32 $0xC580;
	v6 =	vmul.f32 v16, v15;
	[tilespmem:s29+$0xFFFFFFE0] =	vst v5;
	v5 =	vld.idx.msk [tilespmem:v14+s2+$0x0], $0xffff  }
.LBB2_2:
0x4e: {  	v8 =	vld [tilespmem:s31+$0xFFFFFFF0];
	[tilespmem:s29+$0xFFFFFFF0] =	vst v7  }
0x4f: {  	s30 =	sadd.s32 $0x80, s30;
	v0 =	vmul.f32 v2, v0;
	v7 =	vld [tilespmem:s31+$0x70];
	[tilespmem:s29+$0xFFFFFFC0] =	vst v6  }
0x50: {  	p1 =	slt.u32 s30, $0x1880;
	v2 =	vld [tilespmem:s31+$0x0]  }
0x51: {  	v6 =	vld [tilespmem:s31+$0xFFFFFF90];
	[tilespmem:s29+$0x0] =	vst v0;
	v0 =	vmul.f32 v4, v1  }
0x52: {  	v1 =	vld [tilespmem:s31+$0x10]  }
0x53: {  	v4 =	vld [tilespmem:s31+$0xFFFFFFA0];
	[tilespmem:s29+$0x10] =	vst v0;
	v0 =	vmul.f32 v5, v3  }
0x54: {  	v3 =	vld [tilespmem:s31+$0x20]  }
0x55: {  	v5 =	vld [tilespmem:s31+$0xFFFFFFB0];
	[tilespmem:s29+$0x20] =	vst v0  }
0x56: {  	v0 =	vld.idx.msk [tilespmem:v8+s2+$0x0], $0xffff  }
0x57: {  	v7 =	vld.idx.msk [tilespmem:v7+s2+$0x0], $0xffff  }
0x58: {  	v8 =	vld [tilespmem:s31+$0x30]  }
0x59: {  	v9 =	vld [tilespmem:s31+$0xFFFFFFC0]  }
0x5a: {  	v10 =	vld [tilespmem:s31+$0x40]  }
0x5b: {  	v11 =	vld [tilespmem:s31+$0xFFFFFFD0]  }
0x5c: {  	v12 =	vld [tilespmem:s31+$0x50]  }
0x5d: {  	v0 =	vmul.f32 v7, v0;
	v13 =	vld [tilespmem:s31+$0xFFFFFFE0]  }
0x5e: {  	s29 =	sadd.s32 $0x80, s29;
	v14 =	vld [tilespmem:s31+$0x60]  }
0x5f: {  	v7 =	vld [tilespmem:s31+$0xFFFFFF80];
	[tilespmem:s29+$0x30] =	vst v0  }
0x60: {  	v15 =	vld.idx.msk [tilespmem:v2+s2+$0x0], $0xffff  }
0x61: {  	v0 =	vld.idx.msk [tilespmem:v6+s2+$0x0], $0xffff  }
0x62: {  	v1 =	vld.idx.msk [tilespmem:v1+s2+$0x0], $0xffff  }
0x63: {  	v4 =	vld.idx.msk [tilespmem:v4+s2+$0x0], $0xffff  }
0x64: {  	v3 =	vld.idx.msk [tilespmem:v3+s2+$0x0], $0xffff  }
0x65: {  	v5 =	vld.idx.msk [tilespmem:v5+s2+$0x0], $0xffff  }
0x66: {  	v6 =	vld.idx.msk [tilespmem:v8+s2+$0x0], $0xffff  }
0x67: {  	v8 =	vld.idx.msk [tilespmem:v7+s2+$0x0], $0xffff  }
0x68: {  	v1 =	vmul.f32 v1, v0;
	v0 =	vld.idx.msk [tilespmem:v9+s2+$0x0], $0xffff  }
.Ltmp2:
0x69: {  	v2 =	vld.idx.msk [tilespmem:v10+s2+$0x0], $0xffff;
	(pc) =	sbr.rel @p1 .LBB2_2-.Ltmp2, $4  }
0x6a: {  	v3 =	vmul.f32 v3, v4;
	[tilespmem:s29+$0xFFFFFFD0] =	vst v1;
	v1 =	vld.idx.msk [tilespmem:v11+s2+$0x0], $0xffff  }
0x6b: {  	v4 =	vld.idx.msk [tilespmem:v12+s2+$0x0], $0xffff  }
0x6c: {  	v7 =	vmul.f32 v6, v5;
	[tilespmem:s29+$0xFFFFFFE0] =	vst v3;
	v3 =	vld.idx.msk [tilespmem:v13+s2+$0x0], $0xffff  }
0x6d: {  	s31 =	sadd.s32 $0x100, s31;
	v6 =	vmul.f32 v15, v8;
	v5 =	vld.idx.msk [tilespmem:v14+s2+$0x0], $0xffff  }
0x6e: {  	_ =	sdelay $0x1  }
0x6f: {  	[tilespmem:s29+$0xFFFFFFF0] =	vst v7;
	v0 =	vmul.f32 v2, v0  }
0x70: {  	[tilespmem:s29+$0xFFFFFFC0] =	vst v6;
	v1 =	vmul.f32 v4, v1  }
0x71: {  	[tilespmem:s29+$0x0] =	vst v0;
	v0 =	vmul.f32 v5, v3  }
0x72: {  	[tilespmem:s29+$0x10] =	vst v1  }
0x73: {  	[tilespmem:s29+$0x20] =	vst v0;
	s29 =	simm.s32 $0xF6F0  }
0x74: {  	[hbm4b:s6+s2] =	stream.linear.scatter [tilespmem:s21], [sflag:$0x4], $0x1900, $0x38;
	[tilespmem:$0x1BE00] =	vst v63  }
0x75: {  	v0 =	vld [tilespmem:s29+$0xFFFFFF80]  }
0x76: {  	v1 =	vld [tilespmem:s29+$0x0]  }
0x77: {  	v2 =	vld [tilespmem:s29+$0xFFFFFF90]  }
0x78: {  	v3 =	vld [tilespmem:s29+$0xFFFFFF20]  }
0x79: {  	v4 =	vld [tilespmem:s29+$0xFFFFFFA0]  }
0x7a: {  	v5 =	vld [tilespmem:s29+$0xFFFFFF30]  }
0x7b: {  	v6 =	vld [tilespmem:s29+$0xFFFFFFB0]  }
0x7c: {  	v7 =	vld [tilespmem:s29+$0xFFFFFF40]  }
0x7d: {  	v9 =	vld [tilespmem:s29+$0xFFFFFF50]  }
0x7e: {  	v10 =	vld [tilespmem:s29+$0xFFFFFFD0]  }
0x7f: {  	v11 =	vld [tilespmem:s29+$0xFFFFFF60]  }
0x80: {  	v12 =	vld [tilespmem:s29+$0xFFFFFFE0]  }
0x81: {  	v13 =	vld [tilespmem:s29+$0xFFFFFF70]  }
0x82: {  	v14 =	vld [tilespmem:s29+$0xFFFFFFF0]  }
0x83: {  	v15 =	vld [tilespmem:s29+$0xFFFFFF10]  }
0x84: {  	v8 =	vld.idx.msk [tilespmem:v0+s2+$0x0], $0xffff  }
0x85: {  	v1 =	vld.idx.msk [tilespmem:v1+s2+$0x0], $0xffff  }
0x86: {  	v0 =	vld [tilespmem:s29+$0xFFFFFFC0]  }
0x87: {  	v16 =	vld.idx.msk [tilespmem:v2+s2+$0x0], $0xffff  }
0x88: {  	v3 =	vld.idx.msk [tilespmem:v3+s2+$0x0], $0xffff  }
0x89: {  	v4 =	vld.idx.msk [tilespmem:v4+s2+$0x0], $0xffff  }
0x8a: {  	v5 =	vld.idx.msk [tilespmem:v5+s2+$0x0], $0xffff  }
0x8b: {  	v6 =	vld.idx.msk [tilespmem:v6+s2+$0x0], $0xffff  }
0x8c: {  	v7 =	vld.idx.msk [tilespmem:v7+s2+$0x0], $0xffff  }
0x8d: {  	v15 =	vld.idx.msk [tilespmem:v15+s2+$0x0], $0xffff  }
0x8e: {  	v17 =	vld.idx.msk [tilespmem:v0+s2+$0x0], $0xffff  }
0x8f: {  	v2 =	vld.idx.msk [tilespmem:v10+s2+$0x0], $0xffff  }
0x90: {  	v8 =	vmul.f32 v1, v8;
	v1 =	vld.idx.msk [tilespmem:v11+s2+$0x0], $0xffff  }
0x91: {  	s29 =	simm.s32 $0x1A540;
	v3 =	vmul.f32 v4, v3;
	v0 =	vld.idx.msk [tilespmem:v9+s2+$0x0], $0xffff  }
0x92: {  	v5 =	vmul.f32 v6, v5;
	v4 =	vld.idx.msk [tilespmem:v12+s2+$0x0], $0xffff;
	[tilespmem:s29+$0x30] =	vst v8  }
0x93: {  	[tilespmem:s29+$0xFFFFFFD0] =	vst v3;
	v3 =	vld.idx.msk [tilespmem:v13+s2+$0x0], $0xffff;
	v7 =	vmul.f32 v17, v7  }
0x94: {  	s30 =	simm.s32 $0x0;
	s31 =	simm.s32 $0xF7F0;
	v6 =	vmul.f32 v16, v15;
	[tilespmem:s29+$0xFFFFFFE0] =	vst v5;
	v5 =	vld.idx.msk [tilespmem:v14+s2+$0x0], $0xffff  }
.LBB2_4:
0x95: {  	v8 =	vld [tilespmem:s31+$0xFFFFFF80];
	[tilespmem:s29+$0xFFFFFFF0] =	vst v7  }
0x96: {  	s30 =	sadd.s32 $0x80, s30;
	v0 =	vmul.f32 v2, v0;
	v7 =	vld [tilespmem:s31+$0x0];
	[tilespmem:s29+$0xFFFFFFC0] =	vst v6  }
0x97: {  	p1 =	slt.u32 s30, $0x1880;
	v2 =	vld [tilespmem:s31+$0xFFFFFF90]  }
0x98: {  	v6 =	vld [tilespmem:s31+$0xFFFFFF20];
	[tilespmem:s29+$0x0] =	vst v0;
	v0 =	vmul.f32 v4, v1  }
0x99: {  	v1 =	vld [tilespmem:s31+$0xFFFFFFA0]  }
0x9a: {  	v4 =	vld [tilespmem:s31+$0xFFFFFF30];
	[tilespmem:s29+$0x10] =	vst v0;
	v0 =	vmul.f32 v5, v3  }
0x9b: {  	v3 =	vld [tilespmem:s31+$0xFFFFFFB0]  }
0x9c: {  	v5 =	vld [tilespmem:s31+$0xFFFFFF40];
	[tilespmem:s29+$0x20] =	vst v0  }
0x9d: {  	v0 =	vld.idx.msk [tilespmem:v8+s2+$0x0], $0xffff  }
0x9e: {  	v7 =	vld.idx.msk [tilespmem:v7+s2+$0x0], $0xffff  }
0x9f: {  	v8 =	vld [tilespmem:s31+$0xFFFFFFC0]  }
0xa0: {  	v9 =	vld [tilespmem:s31+$0xFFFFFF50]  }
0xa1: {  	v10 =	vld [tilespmem:s31+$0xFFFFFFD0]  }
0xa2: {  	v11 =	vld [tilespmem:s31+$0xFFFFFF60]  }
0xa3: {  	v12 =	vld [tilespmem:s31+$0xFFFFFFE0]  }
0xa4: {  	v0 =	vmul.f32 v7, v0;
	v13 =	vld [tilespmem:s31+$0xFFFFFF70]  }
0xa5: {  	s29 =	sadd.s32 $0x80, s29;
	v14 =	vld [tilespmem:s31+$0xFFFFFFF0]  }
0xa6: {  	v7 =	vld [tilespmem:s31+$0xFFFFFF10];
	[tilespmem:s29+$0x30] =	vst v0  }
0xa7: {  	v15 =	vld.idx.msk [tilespmem:v2+s2+$0x0], $0xffff  }
0xa8: {  	v0 =	vld.idx.msk [tilespmem:v6+s2+$0x0], $0xffff  }
0xa9: {  	v1 =	vld.idx.msk [tilespmem:v1+s2+$0x0], $0xffff  }
0xaa: {  	v4 =	vld.idx.msk [tilespmem:v4+s2+$0x0], $0xffff  }
0xab: {  	v3 =	vld.idx.msk [tilespmem:v3+s2+$0x0], $0xffff  }
0xac: {  	v5 =	vld.idx.msk [tilespmem:v5+s2+$0x0], $0xffff  }
0xad: {  	v6 =	vld.idx.msk [tilespmem:v8+s2+$0x0], $0xffff  }
0xae: {  	v8 =	vld.idx.msk [tilespmem:v7+s2+$0x0], $0xffff  }
0xaf: {  	v1 =	vmul.f32 v1, v0;
	v0 =	vld.idx.msk [tilespmem:v9+s2+$0x0], $0xffff  }
.Ltmp3:
0xb0: {  	v2 =	vld.idx.msk [tilespmem:v10+s2+$0x0], $0xffff;
	(pc) =	sbr.rel @p1 .LBB2_4-.Ltmp3, $4  }
0xb1: {  	v3 =	vmul.f32 v3, v4;
	[tilespmem:s29+$0xFFFFFFD0] =	vst v1;
	v1 =	vld.idx.msk [tilespmem:v11+s2+$0x0], $0xffff  }
0xb2: {  	v4 =	vld.idx.msk [tilespmem:v12+s2+$0x0], $0xffff  }
0xb3: {  	v7 =	vmul.f32 v6, v5;
	[tilespmem:s29+$0xFFFFFFE0] =	vst v3;
	v3 =	vld.idx.msk [tilespmem:v13+s2+$0x0], $0xffff  }
0xb4: {  	s31 =	sadd.s32 $0x100, s31;
	v6 =	vmul.f32 v15, v8;
	v5 =	vld.idx.msk [tilespmem:v14+s2+$0x0], $0xffff  }
0xb5: {  	_ =	sdelay $0x1  }
0xb6: {  	[tilespmem:s29+$0xFFFFFFF0] =	vst v7;
	v0 =	vmul.f32 v2, v0  }
0xb7: {  	[tilespmem:s29+$0xFFFFFFC0] =	vst v6;
	v1 =	vmul.f32 v4, v1  }
0xb8: {  	[tilespmem:s29+$0x0] =	vst v0;
	v0 =	vmul.f32 v5, v3  }
0xb9: {  	[tilespmem:s29+$0x10] =	vst v1  }
0xba: {  	[tilespmem:s29+$0x20] =	vst v0  }
0xbb: {  	[hbm4b:s7+s2] =	stream.linear.scatter [tilespmem:s22], [sflag:$0x5], $0x1900, $0x38;
	[tilespmem:$0x1BE00] =	vst v63  }
0xbc: {  	_ =	swait.ge [sflag:s23], $0x6400  }
0xbd: {  	[sflag:s23] =	ssyncset.done $0x0  }
0xbe: {  	[sflag:s23] =	ssyncadd.s32 $0xFFFF9C00  }
0xbf: {  	[tilespmem:s17], [sflag:$0x2] =	stream.linear.gather [hbm4b:s8+s2], $0x6400, $0x38;
	[tilespmem:$0x1BE00] =	vst v63  }
0xc0: {  	_ =	swait.ge [sflag:s24], $0x1900  }
0xc1: {  	[sflag:s24] =	ssyncset.done $0x0  }
0xc2: {  	s29 =	simm.s32 $0x12880;
	[sflag:s24] =	ssyncadd.s32 $0xFFFFE700  }
0xc3: {  	v0 =	vld [tilespmem:s29+$0xFFFFFFF0]  }
0xc4: {  	v1 =	vld [tilespmem:s29+$0x70]  }
0xc5: {  	v2 =	vld [tilespmem:s29+$0x0]  }
0xc6: {  	v3 =	vld [tilespmem:s29+$0xFFFFFF90]  }
0xc7: {  	v4 =	vld [tilespmem:s29+$0x10]  }
0xc8: {  	v5 =	vld [tilespmem:s29+$0xFFFFFFA0]  }
0xc9: {  	v6 =	vld [tilespmem:s29+$0x20]  }
0xca: {  	v7 =	vld [tilespmem:s29+$0xFFFFFFB0]  }
0xcb: {  	v9 =	vld [tilespmem:s29+$0xFFFFFFC0]  }
0xcc: {  	v10 =	vld [tilespmem:s29+$0x40]  }
0xcd: {  	v11 =	vld [tilespmem:s29+$0xFFFFFFD0]  }
0xce: {  	v12 =	vld [tilespmem:s29+$0x50]  }
0xcf: {  	v13 =	vld [tilespmem:s29+$0xFFFFFFE0]  }
0xd0: {  	v14 =	vld [tilespmem:s29+$0x60]  }
0xd1: {  	v15 =	vld [tilespmem:s29+$0xFFFFFF80]  }
0xd2: {  	v8 =	vld.idx.msk [tilespmem:v0+s2+$0x0], $0xffff  }
0xd3: {  	v1 =	vld.idx.msk [tilespmem:v1+s2+$0x0], $0xffff  }
0xd4: {  	v0 =	vld [tilespmem:s29+$0x30]  }
0xd5: {  	v16 =	vld.idx.msk [tilespmem:v2+s2+$0x0], $0xffff  }
0xd6: {  	v3 =	vld.idx.msk [tilespmem:v3+s2+$0x0], $0xffff  }
0xd7: {  	v4 =	vld.idx.msk [tilespmem:v4+s2+$0x0], $0xffff  }
0xd8: {  	v5 =	vld.idx.msk [tilespmem:v5+s2+$0x0], $0xffff  }
0xd9: {  	v6 =	vld.idx.msk [tilespmem:v6+s2+$0x0], $0xffff  }
0xda: {  	v7 =	vld.idx.msk [tilespmem:v7+s2+$0x0], $0xffff  }
0xdb: {  	v15 =	vld.idx.msk [tilespmem:v15+s2+$0x0], $0xffff  }
0xdc: {  	v17 =	vld.idx.msk [tilespmem:v0+s2+$0x0], $0xffff  }
0xdd: {  	v2 =	vld.idx.msk [tilespmem:v10+s2+$0x0], $0xffff  }
0xde: {  	v8 =	vmul.f32 v1, v8;
	v1 =	vld.idx.msk [tilespmem:v11+s2+$0x0], $0xffff  }
0xdf: {  	s29 =	simm.s32 $0x18C40;
	v3 =	vmul.f32 v4, v3;
	v0 =	vld.idx.msk [tilespmem:v9+s2+$0x0], $0xffff  }
0xe0: {  	v5 =	vmul.f32 v6, v5;
	v4 =	vld.idx.msk [tilespmem:v12+s2+$0x0], $0xffff;
	[tilespmem:s29+$0x30] =	vst v8  }
0xe1: {  	[tilespmem:s29+$0xFFFFFFD0] =	vst v3;
	v3 =	vld.idx.msk [tilespmem:v13+s2+$0x0], $0xffff;
	v7 =	vmul.f32 v17, v7  }
0xe2: {  	s30 =	simm.s32 $0x0;
	s31 =	simm.s32 $0x12980;
	v6 =	vmul.f32 v16, v15;
	[tilespmem:s29+$0xFFFFFFE0] =	vst v5;
	v5 =	vld.idx.msk [tilespmem:v14+s2+$0x0], $0xffff  }
.LBB2_6:
0xe3: {  	v8 =	vld [tilespmem:s31+$0xFFFFFFF0];
	[tilespmem:s29+$0xFFFFFFF0] =	vst v7  }
0xe4: {  	s30 =	sadd.s32 $0x80, s30;
	v0 =	vmul.f32 v2, v0;
	v7 =	vld [tilespmem:s31+$0x70];
	[tilespmem:s29+$0xFFFFFFC0] =	vst v6  }
0xe5: {  	p1 =	slt.u32 s30, $0x1880;
	v2 =	vld [tilespmem:s31+$0x0]  }
0xe6: {  	v6 =	vld [tilespmem:s31+$0xFFFFFF90];
	[tilespmem:s29+$0x0] =	vst v0;
	v0 =	vmul.f32 v4, v1  }
0xe7: {  	v1 =	vld [tilespmem:s31+$0x10]  }
0xe8: {  	v4 =	vld [tilespmem:s31+$0xFFFFFFA0];
	[tilespmem:s29+$0x10] =	vst v0;
	v0 =	vmul.f32 v5, v3  }
0xe9: {  	v3 =	vld [tilespmem:s31+$0x20]  }
0xea: {  	v5 =	vld [tilespmem:s31+$0xFFFFFFB0];
	[tilespmem:s29+$0x20] =	vst v0  }
0xeb: {  	v0 =	vld.idx.msk [tilespmem:v8+s2+$0x0], $0xffff  }
0xec: {  	v7 =	vld.idx.msk [tilespmem:v7+s2+$0x0], $0xffff  }
0xed: {  	v8 =	vld [tilespmem:s31+$0x30]  }
0xee: {  	v9 =	vld [tilespmem:s31+$0xFFFFFFC0]  }
0xef: {  	v10 =	vld [tilespmem:s31+$0x40]  }
0xf0: {  	v11 =	vld [tilespmem:s31+$0xFFFFFFD0]  }
0xf1: {  	v12 =	vld [tilespmem:s31+$0x50]  }
0xf2: {  	v0 =	vmul.f32 v7, v0;
	v13 =	vld [tilespmem:s31+$0xFFFFFFE0]  }
0xf3: {  	s29 =	sadd.s32 $0x80, s29;
	v14 =	vld [tilespmem:s31+$0x60]  }
0xf4: {  	v7 =	vld [tilespmem:s31+$0xFFFFFF80];
	[tilespmem:s29+$0x30] =	vst v0  }
0xf5: {  	v15 =	vld.idx.msk [tilespmem:v2+s2+$0x0], $0xffff  }
0xf6: {  	v0 =	vld.idx.msk [tilespmem:v6+s2+$0x0], $0xffff  }
0xf7: {  	v1 =	vld.idx.msk [tilespmem:v1+s2+$0x0], $0xffff  }
0xf8: {  	v4 =	vld.idx.msk [tilespmem:v4+s2+$0x0], $0xffff  }
0xf9: {  	v3 =	vld.idx.msk [tilespmem:v3+s2+$0x0], $0xffff  }
0xfa: {  	v5 =	vld.idx.msk [tilespmem:v5+s2+$0x0], $0xffff  }
0xfb: {  	v6 =	vld.idx.msk [tilespmem:v8+s2+$0x0], $0xffff  }
0xfc: {  	v8 =	vld.idx.msk [tilespmem:v7+s2+$0x0], $0xffff  }
0xfd: {  	v1 =	vmul.f32 v1, v0;
	v0 =	vld.idx.msk [tilespmem:v9+s2+$0x0], $0xffff  }
.Ltmp4:
0xfe: {  	v2 =	vld.idx.msk [tilespmem:v10+s2+$0x0], $0xffff;
	(pc) =	sbr.rel @p1 .LBB2_6-.Ltmp4, $4  }
0xff: {  	v3 =	vmul.f32 v3, v4;
	[tilespmem:s29+$0xFFFFFFD0] =	vst v1;
	v1 =	vld.idx.msk [tilespmem:v11+s2+$0x0], $0xffff  }
0x100: {  	v4 =	vld.idx.msk [tilespmem:v12+s2+$0x0], $0xffff  }
0x101: {  	v7 =	vmul.f32 v6, v5;
	[tilespmem:s29+$0xFFFFFFE0] =	vst v3;
	v3 =	vld.idx.msk [tilespmem:v13+s2+$0x0], $0xffff  }
0x102: {  	s31 =	sadd.s32 $0x100, s31;
	v6 =	vmul.f32 v15, v8;
	v5 =	vld.idx.msk [tilespmem:v14+s2+$0x0], $0xffff  }
0x103: {  	_ =	sdelay $0x1  }
0x104: {  	[tilespmem:s29+$0xFFFFFFF0] =	vst v7;
	v0 =	vmul.f32 v2, v0  }
0x105: {  	[tilespmem:s29+$0xFFFFFFC0] =	vst v6;
	v1 =	vmul.f32 v4, v1  }
0x106: {  	[tilespmem:s29+$0x0] =	vst v0;
	v0 =	vmul.f32 v5, v3  }
0x107: {  	[tilespmem:s29+$0x10] =	vst v1  }
0x108: {  	[tilespmem:s29+$0x20] =	vst v0  }
0x109: {  	[hbm4b:s9+s2] =	stream.linear.scatter [tilespmem:s21], [sflag:$0x4], $0x1900, $0x38;
	[tilespmem:$0x1BE00] =	vst v63  }
0x10a: {  	_ =	swait.ge [sflag:s25], $0x1900  }
0x10b: {  	[sflag:s25] =	ssyncset.done $0x0  }
0x10c: {  	s29 =	simm.s32 $0x15AF0;
	[sflag:s25] =	ssyncadd.s32 $0xFFFFE700  }
0x10d: {  	v0 =	vld [tilespmem:s29+$0xFFFFFF80]  }
0x10e: {  	v1 =	vld [tilespmem:s29+$0x0]  }
0x10f: {  	v2 =	vld [tilespmem:s29+$0xFFFFFF90]  }
0x110: {  	v3 =	vld [tilespmem:s29+$0xFFFFFF20]  }
0x111: {  	v4 =	vld [tilespmem:s29+$0xFFFFFFA0]  }
0x112: {  	v5 =	vld [tilespmem:s29+$0xFFFFFF30]  }
0x113: {  	v6 =	vld [tilespmem:s29+$0xFFFFFFB0]  }
0x114: {  	v7 =	vld [tilespmem:s29+$0xFFFFFF40]  }
0x115: {  	v9 =	vld [tilespmem:s29+$0xFFFFFF50]  }
0x116: {  	v10 =	vld [tilespmem:s29+$0xFFFFFFD0]  }
0x117: {  	v11 =	vld [tilespmem:s29+$0xFFFFFF60]  }
0x118: {  	v12 =	vld [tilespmem:s29+$0xFFFFFFE0]  }
0x119: {  	v13 =	vld [tilespmem:s29+$0xFFFFFF70]  }
0x11a: {  	v14 =	vld [tilespmem:s29+$0xFFFFFFF0]  }
0x11b: {  	v15 =	vld [tilespmem:s29+$0xFFFFFF10]  }
0x11c: {  	v8 =	vld.idx.msk [tilespmem:v0+s2+$0x0], $0xffff  }
0x11d: {  	v1 =	vld.idx.msk [tilespmem:v1+s2+$0x0], $0xffff  }
0x11e: {  	v0 =	vld [tilespmem:s29+$0xFFFFFFC0]  }
0x11f: {  	v16 =	vld.idx.msk [tilespmem:v2+s2+$0x0], $0xffff  }
0x120: {  	v3 =	vld.idx.msk [tilespmem:v3+s2+$0x0], $0xffff  }
0x121: {  	v4 =	vld.idx.msk [tilespmem:v4+s2+$0x0], $0xffff  }
0x122: {  	v5 =	vld.idx.msk [tilespmem:v5+s2+$0x0], $0xffff  }
0x123: {  	v6 =	vld.idx.msk [tilespmem:v6+s2+$0x0], $0xffff  }
0x124: {  	v7 =	vld.idx.msk [tilespmem:v7+s2+$0x0], $0xffff  }
0x125: {  	v15 =	vld.idx.msk [tilespmem:v15+s2+$0x0], $0xffff  }
0x126: {  	v17 =	vld.idx.msk [tilespmem:v0+s2+$0x0], $0xffff  }
0x127: {  	v2 =	vld.idx.msk [tilespmem:v10+s2+$0x0], $0xffff  }
0x128: {  	v8 =	vmul.f32 v1, v8;
	v1 =	vld.idx.msk [tilespmem:v11+s2+$0x0], $0xffff  }
0x129: {  	s29 =	simm.s32 $0x1A540;
	v3 =	vmul.f32 v4, v3;
	v0 =	vld.idx.msk [tilespmem:v9+s2+$0x0], $0xffff  }
0x12a: {  	v5 =	vmul.f32 v6, v5;
	v4 =	vld.idx.msk [tilespmem:v12+s2+$0x0], $0xffff;
	[tilespmem:s29+$0x30] =	vst v8  }
0x12b: {  	[tilespmem:s29+$0xFFFFFFD0] =	vst v3;
	v3 =	vld.idx.msk [tilespmem:v13+s2+$0x0], $0xffff;
	v7 =	vmul.f32 v17, v7  }
0x12c: {  	s30 =	simm.s32 $0x0;
	s31 =	simm.s32 $0x15BF0;
	v6 =	vmul.f32 v16, v15;
	[tilespmem:s29+$0xFFFFFFE0] =	vst v5;
	v5 =	vld.idx.msk [tilespmem:v14+s2+$0x0], $0xffff  }
.LBB2_8:
0x12d: {  	v8 =	vld [tilespmem:s31+$0xFFFFFF80];
	[tilespmem:s29+$0xFFFFFFF0] =	vst v7  }
0x12e: {  	s30 =	sadd.s32 $0x80, s30;
	v0 =	vmul.f32 v2, v0;
	v7 =	vld [tilespmem:s31+$0x0];
	[tilespmem:s29+$0xFFFFFFC0] =	vst v6  }
0x12f: {  	p1 =	slt.u32 s30, $0x1880;
	v2 =	vld [tilespmem:s31+$0xFFFFFF90]  }
0x130: {  	v6 =	vld [tilespmem:s31+$0xFFFFFF20];
	[tilespmem:s29+$0x0] =	vst v0;
	v0 =	vmul.f32 v4, v1  }
0x131: {  	v1 =	vld [tilespmem:s31+$0xFFFFFFA0]  }
0x132: {  	v4 =	vld [tilespmem:s31+$0xFFFFFF30];
	[tilespmem:s29+$0x10] =	vst v0;
	v0 =	vmul.f32 v5, v3  }
0x133: {  	v3 =	vld [tilespmem:s31+$0xFFFFFFB0]  }
0x134: {  	v5 =	vld [tilespmem:s31+$0xFFFFFF40];
	[tilespmem:s29+$0x20] =	vst v0  }
0x135: {  	v0 =	vld.idx.msk [tilespmem:v8+s2+$0x0], $0xffff  }
0x136: {  	v7 =	vld.idx.msk [tilespmem:v7+s2+$0x0], $0xffff  }
0x137: {  	v8 =	vld [tilespmem:s31+$0xFFFFFFC0]  }
0x138: {  	v9 =	vld [tilespmem:s31+$0xFFFFFF50]  }
0x139: {  	v10 =	vld [tilespmem:s31+$0xFFFFFFD0]  }
0x13a: {  	v11 =	vld [tilespmem:s31+$0xFFFFFF60]  }
0x13b: {  	v12 =	vld [tilespmem:s31+$0xFFFFFFE0]  }
0x13c: {  	v0 =	vmul.f32 v7, v0;
	v13 =	vld [tilespmem:s31+$0xFFFFFF70]  }
0x13d: {  	s29 =	sadd.s32 $0x80, s29;
	v14 =	vld [tilespmem:s31+$0xFFFFFFF0]  }
0x13e: {  	v7 =	vld [tilespmem:s31+$0xFFFFFF10];
	[tilespmem:s29+$0x30] =	vst v0  }
0x13f: {  	v15 =	vld.idx.msk [tilespmem:v2+s2+$0x0], $0xffff  }
0x140: {  	v0 =	vld.idx.msk [tilespmem:v6+s2+$0x0], $0xffff  }
0x141: {  	v1 =	vld.idx.msk [tilespmem:v1+s2+$0x0], $0xffff  }
0x142: {  	v4 =	vld.idx.msk [tilespmem:v4+s2+$0x0], $0xffff  }
0x143: {  	v3 =	vld.idx.msk [tilespmem:v3+s2+$0x0], $0xffff  }
0x144: {  	v5 =	vld.idx.msk [tilespmem:v5+s2+$0x0], $0xffff  }
0x145: {  	v6 =	vld.idx.msk [tilespmem:v8+s2+$0x0], $0xffff  }
0x146: {  	v8 =	vld.idx.msk [tilespmem:v7+s2+$0x0], $0xffff  }
0x147: {  	v1 =	vmul.f32 v1, v0;
	v0 =	vld.idx.msk [tilespmem:v9+s2+$0x0], $0xffff  }
.Ltmp5:
0x148: {  	v2 =	vld.idx.msk [tilespmem:v10+s2+$0x0], $0xffff;
	(pc) =	sbr.rel @p1 .LBB2_8-.Ltmp5, $4  }
0x149: {  	v3 =	vmul.f32 v3, v4;
	[tilespmem:s29+$0xFFFFFFD0] =	vst v1;
	v1 =	vld.idx.msk [tilespmem:v11+s2+$0x0], $0xffff  }
0x14a: {  	v4 =	vld.idx.msk [tilespmem:v12+s2+$0x0], $0xffff  }
0x14b: {  	v7 =	vmul.f32 v6, v5;
	[tilespmem:s29+$0xFFFFFFE0] =	vst v3;
	v3 =	vld.idx.msk [tilespmem:v13+s2+$0x0], $0xffff  }
0x14c: {  	s31 =	sadd.s32 $0x100, s31;
	v6 =	vmul.f32 v15, v8;
	v5 =	vld.idx.msk [tilespmem:v14+s2+$0x0], $0xffff  }
0x14d: {  	_ =	sdelay $0x1  }
0x14e: {  	[tilespmem:s29+$0xFFFFFFF0] =	vst v7;
	v0 =	vmul.f32 v2, v0  }
0x14f: {  	[tilespmem:s29+$0xFFFFFFC0] =	vst v6;
	v1 =	vmul.f32 v4, v1  }
0x150: {  	[tilespmem:s29+$0x0] =	vst v0;
	v0 =	vmul.f32 v5, v3  }
0x151: {  	[tilespmem:s29+$0x10] =	vst v1  }
0x152: {  	[tilespmem:s29+$0x20] =	vst v0  }
0x153: {  	[hbm4b:s10+s2] =	stream.linear.scatter [tilespmem:s22], [sflag:$0x5], $0x1900, $0x38;
	[tilespmem:$0x1BE00] =	vst v63  }
0x154: {  	_ =	swait.ge [sflag:s19], $0x6400  }
0x155: {  	[sflag:s19] =	ssyncset.done $0x0  }
0x156: {  	[sflag:s19] =	ssyncadd.s32 $0xFFFF9C00  }
0x157: {  	[tilespmem:s20], [sflag:$0x3] =	stream.linear.gather [hbm4b:s11+s2], $0x6400, $0x38;
	[tilespmem:$0x1BE00] =	vst v63  }
0x158: {  	_ =	swait.ge [sflag:s24], $0x1900  }
0x159: {  	[sflag:s24] =	ssyncset.done $0x0  }
0x15a: {  	s29 =	simm.s32 $0xC480;
	[sflag:s24] =	ssyncadd.s32 $0xFFFFE700  }
0x15b: {  	v0 =	vld [tilespmem:s29+$0xFFFFFFF0]  }
0x15c: {  	v1 =	vld [tilespmem:s29+$0x70]  }
0x15d: {  	v2 =	vld [tilespmem:s29+$0x0]  }
0x15e: {  	v3 =	vld [tilespmem:s29+$0xFFFFFF90]  }
0x15f: {  	v4 =	vld [tilespmem:s29+$0x10]  }
0x160: {  	v5 =	vld [tilespmem:s29+$0xFFFFFFA0]  }
0x161: {  	v6 =	vld [tilespmem:s29+$0x20]  }
0x162: {  	v7 =	vld [tilespmem:s29+$0xFFFFFFB0]  }
0x163: {  	v9 =	vld [tilespmem:s29+$0xFFFFFFC0]  }
0x164: {  	v10 =	vld [tilespmem:s29+$0x40]  }
0x165: {  	v11 =	vld [tilespmem:s29+$0xFFFFFFD0]  }
0x166: {  	v12 =	vld [tilespmem:s29+$0x50]  }
0x167: {  	v13 =	vld [tilespmem:s29+$0xFFFFFFE0]  }
0x168: {  	v14 =	vld [tilespmem:s29+$0x60]  }
0x169: {  	v15 =	vld [tilespmem:s29+$0xFFFFFF80]  }
0x16a: {  	v8 =	vld.idx.msk [tilespmem:v0+s2+$0x0], $0xffff  }
0x16b: {  	v1 =	vld.idx.msk [tilespmem:v1+s2+$0x0], $0xffff  }
0x16c: {  	v0 =	vld [tilespmem:s29+$0x30]  }
0x16d: {  	v16 =	vld.idx.msk [tilespmem:v2+s2+$0x0], $0xffff  }
0x16e: {  	v3 =	vld.idx.msk [tilespmem:v3+s2+$0x0], $0xffff  }
0x16f: {  	v4 =	vld.idx.msk [tilespmem:v4+s2+$0x0], $0xffff  }
0x170: {  	v5 =	vld.idx.msk [tilespmem:v5+s2+$0x0], $0xffff  }
0x171: {  	v6 =	vld.idx.msk [tilespmem:v6+s2+$0x0], $0xffff  }
0x172: {  	v7 =	vld.idx.msk [tilespmem:v7+s2+$0x0], $0xffff  }
0x173: {  	v15 =	vld.idx.msk [tilespmem:v15+s2+$0x0], $0xffff  }
0x174: {  	v17 =	vld.idx.msk [tilespmem:v0+s2+$0x0], $0xffff  }
0x175: {  	v2 =	vld.idx.msk [tilespmem:v10+s2+$0x0], $0xffff  }
0x176: {  	v8 =	vmul.f32 v1, v8;
	v1 =	vld.idx.msk [tilespmem:v11+s2+$0x0], $0xffff  }
0x177: {  	s29 =	simm.s32 $0x18C40;
	v3 =	vmul.f32 v4, v3;
	v0 =	vld.idx.msk [tilespmem:v9+s2+$0x0], $0xffff  }
0x178: {  	v5 =	vmul.f32 v6, v5;
	v4 =	vld.idx.msk [tilespmem:v12+s2+$0x0], $0xffff;
	[tilespmem:s29+$0x30] =	vst v8  }
0x179: {  	[tilespmem:s29+$0xFFFFFFD0] =	vst v3;
	v3 =	vld.idx.msk [tilespmem:v13+s2+$0x0], $0xffff;
	v7 =	vmul.f32 v17, v7  }
0x17a: {  	s30 =	simm.s32 $0x0;
	s31 =	simm.s32 $0xC580;
	v6 =	vmul.f32 v16, v15;
	[tilespmem:s29+$0xFFFFFFE0] =	vst v5;
	v5 =	vld.idx.msk [tilespmem:v14+s2+$0x0], $0xffff  }
.LBB2_10:
0x17b: {  	v8 =	vld [tilespmem:s31+$0xFFFFFFF0];
	[tilespmem:s29+$0xFFFFFFF0] =	vst v7  }
0x17c: {  	s30 =	sadd.s32 $0x80, s30;
	v0 =	vmul.f32 v2, v0;
	v7 =	vld [tilespmem:s31+$0x70];
	[tilespmem:s29+$0xFFFFFFC0] =	vst v6  }
0x17d: {  	p1 =	slt.u32 s30, $0x1880;
	v2 =	vld [tilespmem:s31+$0x0]  }
0x17e: {  	v6 =	vld [tilespmem:s31+$0xFFFFFF90];
	[tilespmem:s29+$0x0] =	vst v0;
	v0 =	vmul.f32 v4, v1  }
0x17f: {  	v1 =	vld [tilespmem:s31+$0x10]  }
0x180: {  	v4 =	vld [tilespmem:s31+$0xFFFFFFA0];
	[tilespmem:s29+$0x10] =	vst v0;
	v0 =	vmul.f32 v5, v3  }
0x181: {  	v3 =	vld [tilespmem:s31+$0x20]  }
0x182: {  	v5 =	vld [tilespmem:s31+$0xFFFFFFB0];
	[tilespmem:s29+$0x20] =	vst v0  }
0x183: {  	v0 =	vld.idx.msk [tilespmem:v8+s2+$0x0], $0xffff  }
0x184: {  	v7 =	vld.idx.msk [tilespmem:v7+s2+$0x0], $0xffff  }
0x185: {  	v8 =	vld [tilespmem:s31+$0x30]  }
0x186: {  	v9 =	vld [tilespmem:s31+$0xFFFFFFC0]  }
0x187: {  	v10 =	vld [tilespmem:s31+$0x40]  }
0x188: {  	v11 =	vld [tilespmem:s31+$0xFFFFFFD0]  }
0x189: {  	v12 =	vld [tilespmem:s31+$0x50]  }
0x18a: {  	v0 =	vmul.f32 v7, v0;
	v13 =	vld [tilespmem:s31+$0xFFFFFFE0]  }
0x18b: {  	s29 =	sadd.s32 $0x80, s29;
	v14 =	vld [tilespmem:s31+$0x60]  }
0x18c: {  	v7 =	vld [tilespmem:s31+$0xFFFFFF80];
	[tilespmem:s29+$0x30] =	vst v0  }
0x18d: {  	v15 =	vld.idx.msk [tilespmem:v2+s2+$0x0], $0xffff  }
0x18e: {  	v0 =	vld.idx.msk [tilespmem:v6+s2+$0x0], $0xffff  }
0x18f: {  	v1 =	vld.idx.msk [tilespmem:v1+s2+$0x0], $0xffff  }
0x190: {  	v4 =	vld.idx.msk [tilespmem:v4+s2+$0x0], $0xffff  }
0x191: {  	v3 =	vld.idx.msk [tilespmem:v3+s2+$0x0], $0xffff  }
0x192: {  	v5 =	vld.idx.msk [tilespmem:v5+s2+$0x0], $0xffff  }
0x193: {  	v6 =	vld.idx.msk [tilespmem:v8+s2+$0x0], $0xffff  }
0x194: {  	v8 =	vld.idx.msk [tilespmem:v7+s2+$0x0], $0xffff  }
0x195: {  	v1 =	vmul.f32 v1, v0;
	v0 =	vld.idx.msk [tilespmem:v9+s2+$0x0], $0xffff  }
.Ltmp6:
0x196: {  	v2 =	vld.idx.msk [tilespmem:v10+s2+$0x0], $0xffff;
	(pc) =	sbr.rel @p1 .LBB2_10-.Ltmp6, $4  }
0x197: {  	v3 =	vmul.f32 v3, v4;
	[tilespmem:s29+$0xFFFFFFD0] =	vst v1;
	v1 =	vld.idx.msk [tilespmem:v11+s2+$0x0], $0xffff  }
0x198: {  	v4 =	vld.idx.msk [tilespmem:v12+s2+$0x0], $0xffff  }
0x199: {  	v7 =	vmul.f32 v6, v5;
	[tilespmem:s29+$0xFFFFFFE0] =	vst v3;
	v3 =	vld.idx.msk [tilespmem:v13+s2+$0x0], $0xffff  }
0x19a: {  	s31 =	sadd.s32 $0x100, s31;
	v6 =	vmul.f32 v15, v8;
	v5 =	vld.idx.msk [tilespmem:v14+s2+$0x0], $0xffff  }
0x19b: {  	_ =	sdelay $0x1  }
0x19c: {  	[tilespmem:s29+$0xFFFFFFF0] =	vst v7;
	v0 =	vmul.f32 v2, v0  }
0x19d: {  	[tilespmem:s29+$0xFFFFFFC0] =	vst v6;
	v1 =	vmul.f32 v4, v1  }
0x19e: {  	[tilespmem:s29+$0x0] =	vst v0;
	v0 =	vmul.f32 v5, v3  }
0x19f: {  	[tilespmem:s29+$0x10] =	vst v1  }
0x1a0: {  	[tilespmem:s29+$0x20] =	vst v0  }
0x1a1: {  	[hbm4b:s12+s2] =	stream.linear.scatter [tilespmem:s21], [sflag:$0x4], $0x1900, $0x38;
	[tilespmem:$0x1BE00] =	vst v63  }
0x1a2: {  	_ =	swait.ge [sflag:s25], $0x1900  }
0x1a3: {  	[sflag:s25] =	ssyncset.done $0x0  }
0x1a4: {  	s29 =	simm.s32 $0xF6F0;
	[sflag:s25] =	ssyncadd.s32 $0xFFFFE700  }
0x1a5: {  	v0 =	vld [tilespmem:s29+$0xFFFFFF80]  }
0x1a6: {  	v1 =	vld [tilespmem:s29+$0x0]  }
0x1a7: {  	v2 =	vld [tilespmem:s29+$0xFFFFFF90]  }
0x1a8: {  	v3 =	vld [tilespmem:s29+$0xFFFFFF20]  }
0x1a9: {  	v4 =	vld [tilespmem:s29+$0xFFFFFFA0]  }
0x1aa: {  	v5 =	vld [tilespmem:s29+$0xFFFFFF30]  }
0x1ab: {  	v6 =	vld [tilespmem:s29+$0xFFFFFFB0]  }
0x1ac: {  	v7 =	vld [tilespmem:s29+$0xFFFFFF40]  }
0x1ad: {  	v9 =	vld [tilespmem:s29+$0xFFFFFF50]  }
0x1ae: {  	v10 =	vld [tilespmem:s29+$0xFFFFFFD0]  }
0x1af: {  	v11 =	vld [tilespmem:s29+$0xFFFFFF60]  }
0x1b0: {  	v12 =	vld [tilespmem:s29+$0xFFFFFFE0]  }
0x1b1: {  	v13 =	vld [tilespmem:s29+$0xFFFFFF70]  }
0x1b2: {  	v14 =	vld [tilespmem:s29+$0xFFFFFFF0]  }
0x1b3: {  	v15 =	vld [tilespmem:s29+$0xFFFFFF10]  }
0x1b4: {  	v8 =	vld.idx.msk [tilespmem:v0+s2+$0x0], $0xffff  }
0x1b5: {  	v1 =	vld.idx.msk [tilespmem:v1+s2+$0x0], $0xffff  }
0x1b6: {  	v0 =	vld [tilespmem:s29+$0xFFFFFFC0]  }
0x1b7: {  	v16 =	vld.idx.msk [tilespmem:v2+s2+$0x0], $0xffff  }
0x1b8: {  	v3 =	vld.idx.msk [tilespmem:v3+s2+$0x0], $0xffff  }
0x1b9: {  	v4 =	vld.idx.msk [tilespmem:v4+s2+$0x0], $0xffff  }
0x1ba: {  	v5 =	vld.idx.msk [tilespmem:v5+s2+$0x0], $0xffff  }
0x1bb: {  	v6 =	vld.idx.msk [tilespmem:v6+s2+$0x0], $0xffff  }
0x1bc: {  	v7 =	vld.idx.msk [tilespmem:v7+s2+$0x0], $0xffff  }
0x1bd: {  	v15 =	vld.idx.msk [tilespmem:v15+s2+$0x0], $0xffff  }
0x1be: {  	v17 =	vld.idx.msk [tilespmem:v0+s2+$0x0], $0xffff  }
0x1bf: {  	v2 =	vld.idx.msk [tilespmem:v10+s2+$0x0], $0xffff  }
0x1c0: {  	v8 =	vmul.f32 v1, v8;
	v1 =	vld.idx.msk [tilespmem:v11+s2+$0x0], $0xffff  }
0x1c1: {  	s29 =	simm.s32 $0x1A540;
	v3 =	vmul.f32 v4, v3;
	v0 =	vld.idx.msk [tilespmem:v9+s2+$0x0], $0xffff  }
0x1c2: {  	v5 =	vmul.f32 v6, v5;
	v4 =	vld.idx.msk [tilespmem:v12+s2+$0x0], $0xffff;
	[tilespmem:s29+$0x30] =	vst v8  }
0x1c3: {  	[tilespmem:s29+$0xFFFFFFD0] =	vst v3;
	v3 =	vld.idx.msk [tilespmem:v13+s2+$0x0], $0xffff;
	v7 =	vmul.f32 v17, v7  }
0x1c4: {  	s30 =	simm.s32 $0x0;
	s31 =	simm.s32 $0xF7F0;
	v6 =	vmul.f32 v16, v15;
	[tilespmem:s29+$0xFFFFFFE0] =	vst v5;
	v5 =	vld.idx.msk [tilespmem:v14+s2+$0x0], $0xffff  }
.LBB2_12:
0x1c5: {  	v8 =	vld [tilespmem:s31+$0xFFFFFF80];
	[tilespmem:s29+$0xFFFFFFF0] =	vst v7  }
0x1c6: {  	s30 =	sadd.s32 $0x80, s30;
	v0 =	vmul.f32 v2, v0;
	v7 =	vld [tilespmem:s31+$0x0];
	[tilespmem:s29+$0xFFFFFFC0] =	vst v6  }
0x1c7: {  	p1 =	slt.u32 s30, $0x1880;
	v2 =	vld [tilespmem:s31+$0xFFFFFF90]  }
0x1c8: {  	v6 =	vld [tilespmem:s31+$0xFFFFFF20];
	[tilespmem:s29+$0x0] =	vst v0;
	v0 =	vmul.f32 v4, v1  }
0x1c9: {  	v1 =	vld [tilespmem:s31+$0xFFFFFFA0]  }
0x1ca: {  	v4 =	vld [tilespmem:s31+$0xFFFFFF30];
	[tilespmem:s29+$0x10] =	vst v0;
	v0 =	vmul.f32 v5, v3  }
0x1cb: {  	v3 =	vld [tilespmem:s31+$0xFFFFFFB0]  }
0x1cc: {  	v5 =	vld [tilespmem:s31+$0xFFFFFF40];
	[tilespmem:s29+$0x20] =	vst v0  }
0x1cd: {  	v0 =	vld.idx.msk [tilespmem:v8+s2+$0x0], $0xffff  }
0x1ce: {  	v7 =	vld.idx.msk [tilespmem:v7+s2+$0x0], $0xffff  }
0x1cf: {  	v8 =	vld [tilespmem:s31+$0xFFFFFFC0]  }
0x1d0: {  	v9 =	vld [tilespmem:s31+$0xFFFFFF50]  }
0x1d1: {  	v10 =	vld [tilespmem:s31+$0xFFFFFFD0]  }
0x1d2: {  	v11 =	vld [tilespmem:s31+$0xFFFFFF60]  }
0x1d3: {  	v12 =	vld [tilespmem:s31+$0xFFFFFFE0]  }
0x1d4: {  	v0 =	vmul.f32 v7, v0;
	v13 =	vld [tilespmem:s31+$0xFFFFFF70]  }
0x1d5: {  	s29 =	sadd.s32 $0x80, s29;
	v14 =	vld [tilespmem:s31+$0xFFFFFFF0]  }
0x1d6: {  	v7 =	vld [tilespmem:s31+$0xFFFFFF10];
	[tilespmem:s29+$0x30] =	vst v0  }
0x1d7: {  	v15 =	vld.idx.msk [tilespmem:v2+s2+$0x0], $0xffff  }
0x1d8: {  	v0 =	vld.idx.msk [tilespmem:v6+s2+$0x0], $0xffff  }
0x1d9: {  	v1 =	vld.idx.msk [tilespmem:v1+s2+$0x0], $0xffff  }
0x1da: {  	v4 =	vld.idx.msk [tilespmem:v4+s2+$0x0], $0xffff  }
0x1db: {  	v3 =	vld.idx.msk [tilespmem:v3+s2+$0x0], $0xffff  }
0x1dc: {  	v5 =	vld.idx.msk [tilespmem:v5+s2+$0x0], $0xffff  }
0x1dd: {  	v6 =	vld.idx.msk [tilespmem:v8+s2+$0x0], $0xffff  }
0x1de: {  	v8 =	vld.idx.msk [tilespmem:v7+s2+$0x0], $0xffff  }
0x1df: {  	v1 =	vmul.f32 v1, v0;
	v0 =	vld.idx.msk [tilespmem:v9+s2+$0x0], $0xffff  }
.Ltmp7:
0x1e0: {  	v2 =	vld.idx.msk [tilespmem:v10+s2+$0x0], $0xffff;
	(pc) =	sbr.rel @p1 .LBB2_12-.Ltmp7, $4  }
0x1e1: {  	v3 =	vmul.f32 v3, v4;
	[tilespmem:s29+$0xFFFFFFD0] =	vst v1;
	v1 =	vld.idx.msk [tilespmem:v11+s2+$0x0], $0xffff  }
0x1e2: {  	v4 =	vld.idx.msk [tilespmem:v12+s2+$0x0], $0xffff  }
0x1e3: {  	v7 =	vmul.f32 v6, v5;
	[tilespmem:s29+$0xFFFFFFE0] =	vst v3;
	v3 =	vld.idx.msk [tilespmem:v13+s2+$0x0], $0xffff  }
0x1e4: {  	s31 =	sadd.s32 $0x100, s31;
	v6 =	vmul.f32 v15, v8;
	v5 =	vld.idx.msk [tilespmem:v14+s2+$0x0], $0xffff  }
0x1e5: {  	_ =	sdelay $0x1  }
0x1e6: {  	[tilespmem:s29+$0xFFFFFFF0] =	vst v7;
	v0 =	vmul.f32 v2, v0  }
0x1e7: {  	[tilespmem:s29+$0xFFFFFFC0] =	vst v6;
	v1 =	vmul.f32 v4, v1  }
0x1e8: {  	[tilespmem:s29+$0x0] =	vst v0;
	v63 =	vmul.f32 v5, v3  }
0x1e9: {  	[tilespmem:s29+$0x10] =	vst v1  }
0x1ea: {  	[tilespmem:s29+$0x20] =	vst v63  }
0x1eb: {  	[hbm4b:s14+s2] =	stream.linear.scatter [tilespmem:s22], [sflag:$0x5], $0x1900, $0x38;
	[tilespmem:$0x1BE00] =	vst v63  }
0x1ec: {  	_ =	swait.ge [sflag:s23], $0x6400  }
0x1ed: {  	[sflag:s23] =	ssyncset.done $0x0  }
0x1ee: {  	[sflag:s23] =	ssyncadd.s32 $0xFFFF9C00  }
0x1ef: {  	_ =	swait.ge [sflag:s24], $0x1900  }
.Ltmp8:
0x1f0: {  	[sflag:s24] =	ssyncset.done $0x0;
	(pc) =	sbr.rel @p0 .LBB2_19-.Ltmp8, $4  }
0x1f1: {  	[sflag:s24] =	ssyncadd.s32 $0xFFFFE700  }
0x1f2: {  	_ =	swait.ge [sflag:s25], $0x1900  }
0x1f3: {  	[sflag:s25] =	ssyncset.done $0x0  }
0x1f4: {  	[sflag:s25] =	ssyncadd.s32 $0xFFFFE700  }
0x1f5: {  	s29 =	simm.s32 $0x12880  }
0x1f6: {  	v0 =	vld [tilespmem:s29+$0xFFFFFFF0]  }
0x1f7: {  	v1 =	vld [tilespmem:s29+$0x70]  }
0x1f8: {  	v2 =	vld [tilespmem:s29+$0x0]  }
0x1f9: {  	v3 =	vld [tilespmem:s29+$0xFFFFFF90]  }
0x1fa: {  	v4 =	vld [tilespmem:s29+$0x10]  }
0x1fb: {  	v5 =	vld [tilespmem:s29+$0xFFFFFFA0]  }
0x1fc: {  	v6 =	vld [tilespmem:s29+$0x20]  }
0x1fd: {  	v7 =	vld [tilespmem:s29+$0xFFFFFFB0]  }
0x1fe: {  	v9 =	vld [tilespmem:s29+$0xFFFFFFC0]  }
0x1ff: {  	v10 =	vld [tilespmem:s29+$0x40]  }
0x200: {  	v11 =	vld [tilespmem:s29+$0xFFFFFFD0]  }
0x201: {  	v12 =	vld [tilespmem:s29+$0x50]  }
0x202: {  	v13 =	vld [tilespmem:s29+$0xFFFFFFE0]  }
0x203: {  	v14 =	vld [tilespmem:s29+$0x60]  }
0x204: {  	v15 =	vld [tilespmem:s29+$0xFFFFFF80]  }
0x205: {  	v8 =	vld.idx.msk [tilespmem:v0+s2+$0x0], $0xffff  }
0x206: {  	v1 =	vld.idx.msk [tilespmem:v1+s2+$0x0], $0xffff  }
0x207: {  	v0 =	vld [tilespmem:s29+$0x30]  }
0x208: {  	v16 =	vld.idx.msk [tilespmem:v2+s2+$0x0], $0xffff  }
0x209: {  	v3 =	vld.idx.msk [tilespmem:v3+s2+$0x0], $0xffff  }
0x20a: {  	v4 =	vld.idx.msk [tilespmem:v4+s2+$0x0], $0xffff  }
0x20b: {  	v5 =	vld.idx.msk [tilespmem:v5+s2+$0x0], $0xffff  }
0x20c: {  	v6 =	vld.idx.msk [tilespmem:v6+s2+$0x0], $0xffff  }
0x20d: {  	v7 =	vld.idx.msk [tilespmem:v7+s2+$0x0], $0xffff  }
0x20e: {  	v15 =	vld.idx.msk [tilespmem:v15+s2+$0x0], $0xffff  }
0x20f: {  	v17 =	vld.idx.msk [tilespmem:v0+s2+$0x0], $0xffff  }
0x210: {  	v2 =	vld.idx.msk [tilespmem:v10+s2+$0x0], $0xffff  }
0x211: {  	v8 =	vmul.f32 v1, v8;
	v1 =	vld.idx.msk [tilespmem:v11+s2+$0x0], $0xffff  }
0x212: {  	s29 =	simm.s32 $0x18C40;
	v3 =	vmul.f32 v4, v3;
	v0 =	vld.idx.msk [tilespmem:v9+s2+$0x0], $0xffff  }
0x213: {  	v5 =	vmul.f32 v6, v5;
	v4 =	vld.idx.msk [tilespmem:v12+s2+$0x0], $0xffff;
	[tilespmem:s29+$0x30] =	vst v8  }
0x214: {  	[tilespmem:s29+$0xFFFFFFD0] =	vst v3;
	v3 =	vld.idx.msk [tilespmem:v13+s2+$0x0], $0xffff;
	v7 =	vmul.f32 v17, v7  }
0x215: {  	s30 =	simm.s32 $0x0;
	s31 =	simm.s32 $0x12980;
	v6 =	vmul.f32 v16, v15;
	[tilespmem:s29+$0xFFFFFFE0] =	vst v5;
	v5 =	vld.idx.msk [tilespmem:v14+s2+$0x0], $0xffff  }
.LBB2_15:
0x216: {  	v8 =	vld [tilespmem:s31+$0xFFFFFFF0];
	[tilespmem:s29+$0xFFFFFFF0] =	vst v7  }
0x217: {  	s30 =	sadd.s32 $0x80, s30;
	v0 =	vmul.f32 v2, v0;
	v7 =	vld [tilespmem:s31+$0x70];
	[tilespmem:s29+$0xFFFFFFC0] =	vst v6  }
0x218: {  	p1 =	slt.u32 s30, $0x1880;
	v2 =	vld [tilespmem:s31+$0x0]  }
0x219: {  	v6 =	vld [tilespmem:s31+$0xFFFFFF90];
	[tilespmem:s29+$0x0] =	vst v0;
	v0 =	vmul.f32 v4, v1  }
0x21a: {  	v1 =	vld [tilespmem:s31+$0x10]  }
0x21b: {  	v4 =	vld [tilespmem:s31+$0xFFFFFFA0];
	[tilespmem:s29+$0x10] =	vst v0;
	v0 =	vmul.f32 v5, v3  }
0x21c: {  	v3 =	vld [tilespmem:s31+$0x20]  }
0x21d: {  	v5 =	vld [tilespmem:s31+$0xFFFFFFB0];
	[tilespmem:s29+$0x20] =	vst v0  }
0x21e: {  	v0 =	vld.idx.msk [tilespmem:v8+s2+$0x0], $0xffff  }
0x21f: {  	v7 =	vld.idx.msk [tilespmem:v7+s2+$0x0], $0xffff  }
0x220: {  	v8 =	vld [tilespmem:s31+$0x30]  }
0x221: {  	v9 =	vld [tilespmem:s31+$0xFFFFFFC0]  }
0x222: {  	v10 =	vld [tilespmem:s31+$0x40]  }
0x223: {  	v11 =	vld [tilespmem:s31+$0xFFFFFFD0]  }
0x224: {  	v12 =	vld [tilespmem:s31+$0x50]  }
0x225: {  	v0 =	vmul.f32 v7, v0;
	v13 =	vld [tilespmem:s31+$0xFFFFFFE0]  }
0x226: {  	s29 =	sadd.s32 $0x80, s29;
	v14 =	vld [tilespmem:s31+$0x60]  }
0x227: {  	v7 =	vld [tilespmem:s31+$0xFFFFFF80];
	[tilespmem:s29+$0x30] =	vst v0  }
0x228: {  	v15 =	vld.idx.msk [tilespmem:v2+s2+$0x0], $0xffff  }
0x229: {  	v0 =	vld.idx.msk [tilespmem:v6+s2+$0x0], $0xffff  }
0x22a: {  	v1 =	vld.idx.msk [tilespmem:v1+s2+$0x0], $0xffff  }
0x22b: {  	v4 =	vld.idx.msk [tilespmem:v4+s2+$0x0], $0xffff  }
0x22c: {  	v3 =	vld.idx.msk [tilespmem:v3+s2+$0x0], $0xffff  }
0x22d: {  	v5 =	vld.idx.msk [tilespmem:v5+s2+$0x0], $0xffff  }
0x22e: {  	v6 =	vld.idx.msk [tilespmem:v8+s2+$0x0], $0xffff  }
0x22f: {  	v8 =	vld.idx.msk [tilespmem:v7+s2+$0x0], $0xffff  }
0x230: {  	v1 =	vmul.f32 v1, v0;
	v0 =	vld.idx.msk [tilespmem:v9+s2+$0x0], $0xffff  }
.Ltmp9:
0x231: {  	v2 =	vld.idx.msk [tilespmem:v10+s2+$0x0], $0xffff;
	(pc) =	sbr.rel @p1 .LBB2_15-.Ltmp9, $4  }
0x232: {  	v3 =	vmul.f32 v3, v4;
	[tilespmem:s29+$0xFFFFFFD0] =	vst v1;
	v1 =	vld.idx.msk [tilespmem:v11+s2+$0x0], $0xffff  }
0x233: {  	v4 =	vld.idx.msk [tilespmem:v12+s2+$0x0], $0xffff  }
0x234: {  	v7 =	vmul.f32 v6, v5;
	[tilespmem:s29+$0xFFFFFFE0] =	vst v3;
	v3 =	vld.idx.msk [tilespmem:v13+s2+$0x0], $0xffff  }
0x235: {  	s31 =	sadd.s32 $0x100, s31;
	v6 =	vmul.f32 v15, v8;
	v5 =	vld.idx.msk [tilespmem:v14+s2+$0x0], $0xffff  }
0x236: {  	_ =	sdelay $0x1  }
0x237: {  	[tilespmem:s29+$0xFFFFFFF0] =	vst v7;
	v0 =	vmul.f32 v2, v0  }
0x238: {  	[tilespmem:s29+$0xFFFFFFC0] =	vst v6;
	v1 =	vmul.f32 v4, v1  }
0x239: {  	[tilespmem:s29+$0x0] =	vst v0;
	v0 =	vmul.f32 v5, v3  }
0x23a: {  	[tilespmem:s29+$0x10] =	vst v1  }
0x23b: {  	[tilespmem:s29+$0x20] =	vst v0  }
0x23c: {  	[hbm4b:s13+s2] =	stream.linear.scatter [tilespmem:s21], [sflag:$0x6], $0x1900, $0x38;
	[tilespmem:$0x1BE00] =	vst v63  }
0x23d: {  	_ =	swait.ge [sflag:s26], $0x1900  }
0x23e: {  	[sflag:s26] =	ssyncset.done $0x0  }
0x23f: {  	s29 =	simm.s32 $0x15AF0;
	[sflag:s26] =	ssyncadd.s32 $0xFFFFE700  }
0x240: {  	v0 =	vld [tilespmem:s29+$0xFFFFFF80]  }
0x241: {  	v1 =	vld [tilespmem:s29+$0x0]  }
0x242: {  	v2 =	vld [tilespmem:s29+$0xFFFFFF90]  }
0x243: {  	v3 =	vld [tilespmem:s29+$0xFFFFFF20]  }
0x244: {  	v4 =	vld [tilespmem:s29+$0xFFFFFFA0]  }
0x245: {  	v5 =	vld [tilespmem:s29+$0xFFFFFF30]  }
0x246: {  	v6 =	vld [tilespmem:s29+$0xFFFFFFB0]  }
0x247: {  	v7 =	vld [tilespmem:s29+$0xFFFFFF40]  }
0x248: {  	v9 =	vld [tilespmem:s29+$0xFFFFFF50]  }
0x249: {  	v10 =	vld [tilespmem:s29+$0xFFFFFFD0]  }
0x24a: {  	v11 =	vld [tilespmem:s29+$0xFFFFFF60]  }
0x24b: {  	v12 =	vld [tilespmem:s29+$0xFFFFFFE0]  }
0x24c: {  	v13 =	vld [tilespmem:s29+$0xFFFFFF70]  }
0x24d: {  	v14 =	vld [tilespmem:s29+$0xFFFFFFF0]  }
0x24e: {  	v15 =	vld [tilespmem:s29+$0xFFFFFF10]  }
0x24f: {  	v8 =	vld.idx.msk [tilespmem:v0+s2+$0x0], $0xffff  }
0x250: {  	v1 =	vld.idx.msk [tilespmem:v1+s2+$0x0], $0xffff  }
0x251: {  	v0 =	vld [tilespmem:s29+$0xFFFFFFC0]  }
0x252: {  	v16 =	vld.idx.msk [tilespmem:v2+s2+$0x0], $0xffff  }
0x253: {  	v3 =	vld.idx.msk [tilespmem:v3+s2+$0x0], $0xffff  }
0x254: {  	v4 =	vld.idx.msk [tilespmem:v4+s2+$0x0], $0xffff  }
0x255: {  	v5 =	vld.idx.msk [tilespmem:v5+s2+$0x0], $0xffff  }
0x256: {  	v6 =	vld.idx.msk [tilespmem:v6+s2+$0x0], $0xffff  }
0x257: {  	v7 =	vld.idx.msk [tilespmem:v7+s2+$0x0], $0xffff  }
0x258: {  	v15 =	vld.idx.msk [tilespmem:v15+s2+$0x0], $0xffff  }
0x259: {  	v17 =	vld.idx.msk [tilespmem:v0+s2+$0x0], $0xffff  }
0x25a: {  	v2 =	vld.idx.msk [tilespmem:v10+s2+$0x0], $0xffff  }
0x25b: {  	v8 =	vmul.f32 v1, v8;
	v1 =	vld.idx.msk [tilespmem:v11+s2+$0x0], $0xffff  }
0x25c: {  	s29 =	simm.s32 $0x1A540;
	v3 =	vmul.f32 v4, v3;
	v0 =	vld.idx.msk [tilespmem:v9+s2+$0x0], $0xffff  }
0x25d: {  	v5 =	vmul.f32 v6, v5;
	v4 =	vld.idx.msk [tilespmem:v12+s2+$0x0], $0xffff;
	[tilespmem:s29+$0x30] =	vst v8  }
0x25e: {  	[tilespmem:s29+$0xFFFFFFD0] =	vst v3;
	v3 =	vld.idx.msk [tilespmem:v13+s2+$0x0], $0xffff;
	v7 =	vmul.f32 v17, v7  }
0x25f: {  	s30 =	simm.s32 $0x0;
	s31 =	simm.s32 $0x15BF0;
	v6 =	vmul.f32 v16, v15;
	[tilespmem:s29+$0xFFFFFFE0] =	vst v5;
	v5 =	vld.idx.msk [tilespmem:v14+s2+$0x0], $0xffff  }
.LBB2_17:
0x260: {  	v8 =	vld [tilespmem:s31+$0xFFFFFF80];
	[tilespmem:s29+$0xFFFFFFF0] =	vst v7  }
0x261: {  	s30 =	sadd.s32 $0x80, s30;
	v0 =	vmul.f32 v2, v0;
	v7 =	vld [tilespmem:s31+$0x0];
	[tilespmem:s29+$0xFFFFFFC0] =	vst v6  }
0x262: {  	p1 =	slt.u32 s30, $0x1880;
	v2 =	vld [tilespmem:s31+$0xFFFFFF90]  }
0x263: {  	v6 =	vld [tilespmem:s31+$0xFFFFFF20];
	[tilespmem:s29+$0x0] =	vst v0;
	v0 =	vmul.f32 v4, v1  }
0x264: {  	v1 =	vld [tilespmem:s31+$0xFFFFFFA0]  }
0x265: {  	v4 =	vld [tilespmem:s31+$0xFFFFFF30];
	[tilespmem:s29+$0x10] =	vst v0;
	v0 =	vmul.f32 v5, v3  }
0x266: {  	v3 =	vld [tilespmem:s31+$0xFFFFFFB0]  }
0x267: {  	v5 =	vld [tilespmem:s31+$0xFFFFFF40];
	[tilespmem:s29+$0x20] =	vst v0  }
0x268: {  	v0 =	vld.idx.msk [tilespmem:v8+s2+$0x0], $0xffff  }
0x269: {  	v7 =	vld.idx.msk [tilespmem:v7+s2+$0x0], $0xffff  }
0x26a: {  	v8 =	vld [tilespmem:s31+$0xFFFFFFC0]  }
0x26b: {  	v9 =	vld [tilespmem:s31+$0xFFFFFF50]  }
0x26c: {  	v10 =	vld [tilespmem:s31+$0xFFFFFFD0]  }
0x26d: {  	v11 =	vld [tilespmem:s31+$0xFFFFFF60]  }
0x26e: {  	v12 =	vld [tilespmem:s31+$0xFFFFFFE0]  }
0x26f: {  	v0 =	vmul.f32 v7, v0;
	v13 =	vld [tilespmem:s31+$0xFFFFFF70]  }
0x270: {  	s29 =	sadd.s32 $0x80, s29;
	v14 =	vld [tilespmem:s31+$0xFFFFFFF0]  }
0x271: {  	v7 =	vld [tilespmem:s31+$0xFFFFFF10];
	[tilespmem:s29+$0x30] =	vst v0  }
0x272: {  	v15 =	vld.idx.msk [tilespmem:v2+s2+$0x0], $0xffff  }
0x273: {  	v0 =	vld.idx.msk [tilespmem:v6+s2+$0x0], $0xffff  }
0x274: {  	v1 =	vld.idx.msk [tilespmem:v1+s2+$0x0], $0xffff  }
0x275: {  	v4 =	vld.idx.msk [tilespmem:v4+s2+$0x0], $0xffff  }
0x276: {  	v3 =	vld.idx.msk [tilespmem:v3+s2+$0x0], $0xffff  }
0x277: {  	v5 =	vld.idx.msk [tilespmem:v5+s2+$0x0], $0xffff  }
0x278: {  	v6 =	vld.idx.msk [tilespmem:v8+s2+$0x0], $0xffff  }
0x279: {  	v8 =	vld.idx.msk [tilespmem:v7+s2+$0x0], $0xffff  }
0x27a: {  	v1 =	vmul.f32 v1, v0;
	v0 =	vld.idx.msk [tilespmem:v9+s2+$0x0], $0xffff  }
.Ltmp10:
0x27b: {  	v2 =	vld.idx.msk [tilespmem:v10+s2+$0x0], $0xffff;
	(pc) =	sbr.rel @p1 .LBB2_17-.Ltmp10, $4  }
0x27c: {  	v3 =	vmul.f32 v3, v4;
	[tilespmem:s29+$0xFFFFFFD0] =	vst v1;
	v1 =	vld.idx.msk [tilespmem:v11+s2+$0x0], $0xffff  }
0x27d: {  	v4 =	vld.idx.msk [tilespmem:v12+s2+$0x0], $0xffff  }
0x27e: {  	v7 =	vmul.f32 v6, v5;
	[tilespmem:s29+$0xFFFFFFE0] =	vst v3;
	v3 =	vld.idx.msk [tilespmem:v13+s2+$0x0], $0xffff  }
0x27f: {  	s31 =	sadd.s32 $0x100, s31;
	v6 =	vmul.f32 v15, v8;
	v5 =	vld.idx.msk [tilespmem:v14+s2+$0x0], $0xffff  }
.Ltmp11:
0x280: {  	_ = 	snop;
	(pc) =	sbr.rel .LBB2_18-.Ltmp11, $1  }
0x281: {  	_ =	sdelay $0x3  }
.LBB2_20:
0x282: {  	_ =	sfence.sel $0x180000  }
0x283: {  	[bflag:$0x0] =	sbarrier.arrive $0xFFFF  }
0x284: {  	p0 =	sne.s32 s1, $0x0;
	_ =	strace $0x9000004A  }
0x285: {  	s0 =	sadd.s32 @!p0 $0x100000, s0;
	[bflag:$0x2] =	sbarrier.arrive $0xFFFF  }
0x286: {  	[sflag:s0] =	ssyncadd.tile.s32 @!p0 $0x1;
	_ =	shalt  }
.Lfunc_end2:
_tile_overlayer_lowered:
.L_overlay_start_2:
0x287: {  	(tag) =	ssettag $0x2  }
0x288: {  	s0 =	rddreg [dreg:$0x0];
	s2 =	stileid.u32  }
0x289: {  	s1 =	rddreg [dreg:$0x1];
	p0 =	sne.s32 s2, $0x0  }
0x28a: {  	s3 =	rddreg [dreg:$0x2];
	[bflag:$0x3] =	sbarrier.arrive $0xFFFF;
	s2 =	simm.s32 @!p0 $0x1C06  }
0x28b: {  	[timem:s3], [sflag:s2] =	dma.local @!p0 [hbm:s0], s1  }
0x28c: {  	s0 =	simm.s32 @!p0 $0x6  }
0x28d: {  	_ =	swait.ge @!p0 [sflag:s0], s1  }
0x28e: {  	s1 =	ssub.s32 @!p0 $0x0, s1;
	[sflag:s0] =	ssyncset.done @!p0 $0x0  }
0x28f: {  	[sflag:s0] =	ssyncadd.s32 @!p0 s1  }
0x290: {  	[bflag:$0x3] =	sbarrier.arrive $0xFFFF  }
0x291: {  	_ =	shalt  }

</sc_bundles>
